<compile_context>
chip_gen: v7x
topology: tpu7x:2x2x1
jax: 0.10.2.dev20260603
libtpu: 0.0.44.dev20260713+nightly
codegen_flags: <defaults>
</compile_context>

<pallas_src>
import functools
import math

import jax
import jax.numpy as jnp
from jax import lax
from jax.experimental import pallas as pl
from jax.experimental.pallas import tpu as pltpu
from jax.experimental.pallas import tpu_sc as plsc

N = 2048
D = 768
E = 8
DFF = 1024
H = 12
DH = 64
TOPK = 2

BM = 512
GTILE = 256
SLOTS = N * TOPK
PAD = SLOTS + E * GTILE
NTILES = PAD // GTILE
NEG = -1e30


def _ln(x, g, b, eps=1e-5):
    m = jnp.mean(x, axis=-1, keepdims=True)
    v = jnp.mean((x - m) ** 2, axis=-1, keepdims=True)
    return (x - m) * lax.rsqrt(v + eps) * g + b


def _gconv_qkv_body(adj_ref, x_ref, xt_ref, gcw_ref, gcb_ref, root_ref,
                    inw_ref, inb_ref, x1_ref, qb_ref, kb_ref, vb_ref):
    bf = jnp.bfloat16
    a = jnp.dot(adj_ref[...].astype(bf), x_ref[...].astype(bf),
                preferred_element_type=jnp.float32)
    g = lax.dot_general(a.astype(bf), gcw_ref[...].astype(bf),
                        (((1,), (1,)), ((), ())),
                        preferred_element_type=jnp.float32)
    g = g + gcb_ref[...] + root_ref[...]
    x1 = xt_ref[...] + g
    x1_ref[...] = x1
    qkv = lax.dot_general(x1.astype(bf), inw_ref[...].astype(bf),
                          (((1,), (1,)), ((), ())),
                          preferred_element_type=jnp.float32) + inb_ref[...]
    qb_ref[...] = (qkv[:, :D] * (1.0 / math.sqrt(DH))).astype(bf)
    kb_ref[...] = qkv[:, D:2 * D].astype(bf)
    vb_ref[...] = qkv[:, 2 * D:].astype(bf)


def _gconv_qkv(adj, x, gc_W, gc_b, root, in_w, in_b, interpret=False):
    return pl.pallas_call(
        _gconv_qkv_body,
        grid=(N // BM,),
        in_specs=[
            pl.BlockSpec((BM, N), lambda i: (i, 0)),
            pl.BlockSpec((N, D), lambda i: (0, 0)),
            pl.BlockSpec((BM, D), lambda i: (i, 0)),
            pl.BlockSpec((D, D), lambda i: (0, 0)),
            pl.BlockSpec((1, D), lambda i: (0, 0)),
            pl.BlockSpec((1, D), lambda i: (0, 0)),
            pl.BlockSpec((3 * D, D), lambda i: (0, 0)),
            pl.BlockSpec((1, 3 * D), lambda i: (0, 0)),
        ],
        out_specs=[
            pl.BlockSpec((BM, D), lambda i: (i, 0)),
            pl.BlockSpec((BM, D), lambda i: (i, 0)),
            pl.BlockSpec((BM, D), lambda i: (i, 0)),
            pl.BlockSpec((BM, D), lambda i: (i, 0)),
        ],
        out_shape=[
            jax.ShapeDtypeStruct((N, D), jnp.float32),
            jax.ShapeDtypeStruct((N, D), jnp.bfloat16),
            jax.ShapeDtypeStruct((N, D), jnp.bfloat16),
            jax.ShapeDtypeStruct((N, D), jnp.bfloat16),
        ],
        interpret=interpret,
    )(adj, x, x, gc_W, gc_b, root, in_w, in_b)


def _attn_gate_body(qb_ref, kb_ref, vb_ref, x1_ref, ow_ref, ob_ref, g1_ref,
                    b1_ref, gw_ref, x2_ref, x2p_ref, e0_ref, e1_ref,
                    w0_ref, w1_ref):
    bf = jnp.bfloat16
    kb = kb_ref[...]
    vb = vb_ref[...]
    cols = []
    for h in range(H):
        q = qb_ref[:, DH * h:DH * (h + 1)]
        k = kb[:, DH * h:DH * (h + 1)]
        v = vb[:, DH * h:DH * (h + 1)]
        sc = lax.dot_general(q, k, (((1,), (1,)), ((), ())),
                             preferred_element_type=jnp.float32)
        m = jnp.max(sc, axis=1, keepdims=True)
        p = jnp.exp(sc - m)
        inv = 1.0 / jnp.sum(p, axis=1, keepdims=True)
        cols.append(jnp.dot((p * inv).astype(bf), v,
                            preferred_element_type=jnp.float32))
    at = jnp.concatenate(cols, axis=1)
    attn = lax.dot_general(at.astype(bf), ow_ref[...].astype(bf),
                           (((1,), (1,)), ((), ())),
                           preferred_element_type=jnp.float32) + ob_ref[...]
    x2 = _ln(x1_ref[...] + attn, g1_ref[...], b1_ref[...])
    x2_ref[...] = x2
    x2p_ref[...] = pltpu.bitcast(x2.astype(bf).reshape(2 * BM, D // 2), jnp.int32)
    logits = lax.dot_general(x2, gw_ref[...], (((1,), (1,)), ((), ())),
                             preferred_element_type=jnp.float32)
    lane = lax.broadcasted_iota(jnp.int32, logits.shape, 1)
    lg = jnp.where(lane < E, logits, NEG)
    m1 = jnp.max(lg, axis=1, keepdims=True)
    i1 = jnp.min(jnp.where(lg == m1, lane, 128), axis=1, keepdims=True)
    lg2 = jnp.where(lane == i1, NEG, lg)
    m2 = jnp.max(lg2, axis=1, keepdims=True)
    i2 = jnp.min(jnp.where(lg2 == m2, lane, 128), axis=1, keepdims=True)
    w1v = 1.0 / (1.0 + jnp.exp(m2 - m1))
    e0_ref[...] = i1
    e1_ref[...] = i2
    w0_ref[...] = w1v
    w1_ref[...] = 1.0 - w1v


def _attn_gate(qb, kb, vb, x1, out_w, out_b, ln1_g, ln1_b, gate_wp,
               interpret=False):
    return pl.pallas_call(
        _attn_gate_body,
        grid=(N // BM,),
        in_specs=[
            pl.BlockSpec((BM, D), lambda i: (i, 0)),
            pl.BlockSpec((N, D), lambda i: (0, 0)),
            pl.BlockSpec((N, D), lambda i: (0, 0)),
            pl.BlockSpec((BM, D), lambda i: (i, 0)),
            pl.BlockSpec((D, D), lambda i: (0, 0)),
            pl.BlockSpec((1, D), lambda i: (0, 0)),
            pl.BlockSpec((1, D), lambda i: (0, 0)),
            pl.BlockSpec((1, D), lambda i: (0, 0)),
            pl.BlockSpec((128, D), lambda i: (0, 0)),
        ],
        out_specs=[
            pl.BlockSpec((BM, D), lambda i: (i, 0)),
            pl.BlockSpec((BM, D // 2), lambda i: (i, 0)),
            pl.BlockSpec((BM, 1), lambda i: (i, 0)),
            pl.BlockSpec((BM, 1), lambda i: (i, 0)),
            pl.BlockSpec((BM, 1), lambda i: (i, 0)),
            pl.BlockSpec((BM, 1), lambda i: (i, 0)),
        ],
        out_shape=[
            jax.ShapeDtypeStruct((N, D), jnp.float32),
            jax.ShapeDtypeStruct((N, D // 2), jnp.int32),
            jax.ShapeDtypeStruct((N, 1), jnp.int32),
            jax.ShapeDtypeStruct((N, 1), jnp.int32),
            jax.ShapeDtypeStruct((N, 1), jnp.float32),
            jax.ShapeDtypeStruct((N, 1), jnp.float32),
        ],
        interpret=interpret,
    )(qb, kb, vb, x1, out_w, out_b, ln1_g, ln1_b, gate_wp)


ROWS = SLOTS // 128


def _sortpos_body(eid_ref, pos_ref, texp_ref, used_ref, zidx_ref):
    eid = eid_ref[...]
    tri_r = lax.broadcasted_iota(jnp.int32, (ROWS, ROWS), 0)
    tri_c = lax.broadcasted_iota(jnp.int32, (ROWS, ROWS), 1)
    tri = (tri_r > tri_c).astype(jnp.float32)
    cs_r = lax.broadcasted_iota(jnp.int32, (128, 128), 0)
    cs_c = lax.broadcasted_iota(jnp.int32, (128, 128), 1)
    csm = (cs_r <= cs_c).astype(jnp.float32)
    pos = jnp.zeros(eid.shape, jnp.float32)
    off = jnp.zeros((1, 1), jnp.float32)
    offs = []
    pads = []
    for e in range(E):
        mask = (eid == e).astype(jnp.float32)
        rowcs = jnp.dot(mask, csm, preferred_element_type=jnp.float32)
        rowsum = rowcs[:, 127:128]
        row_off = jnp.dot(tri, rowsum, preferred_element_type=jnp.float32)
        rank = row_off + rowcs - mask
        pos = pos + mask * (off + rank)
        offs.append(off)
        cnt = jnp.sum(mask).reshape(1, 1)
        pad = jnp.ceil(cnt * (1.0 / GTILE)) * GTILE
        pads.append(pad)
        off = off + pad
    pos_ref[...] = pos.astype(jnp.int32)
    start = lax.broadcasted_iota(jnp.int32, (1, 128), 1).astype(jnp.float32) * GTILE
    te = jnp.zeros((1, 128), jnp.float32)
    for e in range(E):
        ind = jnp.logical_and(start >= offs[e], start < offs[e] + pads[e])
        te = te + ind.astype(jnp.float32) * e
    used = (start < off).astype(jnp.float32)
    te = te * used + (E - 1) * (1.0 - used)
    texp_ref[...] = te.astype(jnp.int32)
    used_ref[...] = used.astype(jnp.int32)
    lane = lax.broadcasted_iota(jnp.int32, (1, 128), 1).astype(jnp.float32)
    fu = off * (1.0 / GTILE)
    zidx_ref[...] = (lane * used + fu * (1.0 - used)).astype(jnp.int32)


def _sortpos(eid, interpret=False):
    return pl.pallas_call(
        _sortpos_body,
        grid=(1,),
        in_specs=[pl.BlockSpec((ROWS, 128), lambda i: (0, 0))],
        out_specs=[
            pl.BlockSpec((ROWS, 128), lambda i: (0, 0)),
            pl.BlockSpec((1, 128), lambda i: (0, 0)),
            pl.BlockSpec((1, 128), lambda i: (0, 0)),
            pl.BlockSpec((1, 128), lambda i: (0, 0)),
        ],
        out_shape=[
            jax.ShapeDtypeStruct((ROWS, 128), jnp.int32),
            jax.ShapeDtypeStruct((1, 128), jnp.int32),
            jax.ShapeDtypeStruct((1, 128), jnp.int32),
            jax.ShapeDtypeStruct((1, 128), jnp.int32),
        ],
        interpret=interpret,
    )(eid)


_NW = 32
_SPW = SLOTS // _NW


def _sc_dispatch_body(x2_hbm, tok_hbm, pos_hbm, z_hbm, tokv, posv, rows, sem):
    wid = lax.axis_index("s") * 2 + lax.axis_index("c")
    base = wid * _SPW
    pltpu.sync_copy(tok_hbm.at[pl.ds(base, _SPW)], tokv)
    pltpu.sync_copy(pos_hbm.at[pl.ds(base, _SPW)], posv)
    pltpu.async_copy(x2_hbm.at[tokv], rows, sem).wait()
    pltpu.async_copy(rows, z_hbm.at[posv], sem).wait()


def _sc_dispatch(x2, tok, pos):
    f = pl.kernel(
        _sc_dispatch_body,
        mesh=plsc.VectorSubcoreMesh(core_axis_name="c", subcore_axis_name="s"),
        out_type=jax.ShapeDtypeStruct((PAD, D // 2), jnp.int32),
        scratch_types=[
            pltpu.VMEM((_SPW,), jnp.int32),
            pltpu.VMEM((_SPW,), jnp.int32),
            pltpu.VMEM((_SPW, D // 2), jnp.int32),
            pltpu.SemaphoreType.DMA,
        ],
    )
    return f(x2, tok, pos)


def _sc_combine_body(y_hbm, pos_hbm, yp_hbm, posv, rows, sem):
    wid = lax.axis_index("s") * 2 + lax.axis_index("c")
    base = wid * _SPW
    pltpu.sync_copy(pos_hbm.at[pl.ds(base, _SPW)], posv)
    pltpu.async_copy(y_hbm.at[posv], rows, sem).wait()
    pltpu.sync_copy(rows, yp_hbm.at[pl.ds(base, _SPW)])


def _sc_combine(y, pos):
    f = pl.kernel(
        _sc_combine_body,
        mesh=plsc.VectorSubcoreMesh(core_axis_name="c", subcore_axis_name="s"),
        out_type=jax.ShapeDtypeStruct((SLOTS, D // 2), jnp.int32),
        scratch_types=[
            pltpu.VMEM((_SPW,), jnp.int32),
            pltpu.VMEM((_SPW, D // 2), jnp.int32),
            pltpu.SemaphoreType.DMA,
        ],
    )
    return f(y, pos)


def _expert_body(te_ref, used_ref, zi_ref, z_ref, w1_ref, b1_ref, w2_ref, b2_ref, y_ref):
    t = pl.program_id(0)

    @pl.when(used_ref[t] != 0)
    def _():
        bf = jnp.bfloat16
        z = pltpu.bitcast(z_ref[...], bf).reshape(GTILE, D)
        h = lax.dot_general(z, w1_ref[0].astype(bf), (((1,), (1,)), ((), ())),
                            preferred_element_type=jnp.float32) + b1_ref[0]
        h = 0.5 * h * (1.0 + lax.erf(h * (1.0 / math.sqrt(2.0))))
        y = lax.dot_general(h.astype(bf), w2_ref[0].astype(bf),
                            (((1,), (1,)), ((), ())),
                            preferred_element_type=jnp.float32) + b2_ref[0]
        y_ref[...] = pltpu.bitcast(y.astype(bf).reshape(2 * GTILE, D // 2),
                                   jnp.int32)


def _expert_ffn(z, texp, used, zidx, e_w1, e_b1, e_w2, e_b2, interpret=False):
    grid_spec = pltpu.PrefetchScalarGridSpec(
        num_scalar_prefetch=3,
        grid=(NTILES,),
        in_specs=[
            pl.BlockSpec((GTILE, D // 2), lambda t, te, u, zi: (zi[t], 0)),
            pl.BlockSpec((1, DFF, D), lambda t, te, u, zi: (te[t], 0, 0)),
            pl.BlockSpec((1, 1, DFF), lambda t, te, u, zi: (te[t], 0, 0)),
            pl.BlockSpec((1, D, DFF), lambda t, te, u, zi: (te[t], 0, 0)),
            pl.BlockSpec((1, 1, D), lambda t, te, u, zi: (te[t], 0, 0)),
        ],
        out_specs=pl.BlockSpec((GTILE, D // 2), lambda t, te, u, zi: (zi[t], 0)),
    )
    return pl.pallas_call(
        _expert_body,
        grid_spec=grid_spec,
        out_shape=jax.ShapeDtypeStruct((PAD, D // 2), jnp.int32),
        interpret=interpret,
    )(texp, used, zidx, z, e_w1, e_b1.reshape(E, 1, DFF), e_w2, e_b2.reshape(E, 1, D))


def _combine_body(x2_ref, yp_ref, w0_ref, w1_ref, g2_ref, b2_ref, o_ref):
    unp = pltpu.bitcast(yp_ref[...], jnp.bfloat16)
    y0 = unp[:, :D // 2].reshape(BM, D).astype(jnp.float32)
    y1 = unp[:, D // 2:].reshape(BM, D).astype(jnp.float32)
    moe = w0_ref[...] * y0 + w1_ref[...] * y1
    o_ref[...] = _ln(x2_ref[...] + moe, g2_ref[...], b2_ref[...])


def _combine(x2, ypairs, w0, w1, ln2_g, ln2_b, interpret=False):
    return pl.pallas_call(
        _combine_body,
        grid=(N // BM,),
        in_specs=[
            pl.BlockSpec((BM, D), lambda i: (i, 0)),
            pl.BlockSpec((BM, D), lambda i: (i, 0)),
            pl.BlockSpec((BM, 1), lambda i: (i, 0)),
            pl.BlockSpec((BM, 1), lambda i: (i, 0)),
            pl.BlockSpec((1, D), lambda i: (0, 0)),
            pl.BlockSpec((1, D), lambda i: (0, 0)),
        ],
        out_specs=pl.BlockSpec((BM, D), lambda i: (i, 0)),
        out_shape=jax.ShapeDtypeStruct((N, D), jnp.float32),
        interpret=interpret,
    )(x2, ypairs, w0, w1, ln2_g, ln2_b)


def kernel(x, adj, gc_W, gc_b, root_emb, in_proj_w, in_proj_b, out_proj_w,
           out_proj_b, ln1_g, ln1_b, ln2_g, ln2_b, gate_w, e_w1, e_b1,
           e_w2, e_b2):
    xr = x[0]
    adjr = adj[0]
    x1, qb, kb, vb = _gconv_qkv(adjr, xr, gc_W, gc_b.reshape(1, D), root_emb,
                                in_proj_w, in_proj_b.reshape(1, 3 * D))
    gate_wp = jnp.zeros((128, D), jnp.float32).at[:E].set(gate_w)
    x2, x2p, e0, e1, w0, w1 = _attn_gate(
        qb, kb, vb, x1, out_proj_w, out_proj_b.reshape(1, D),
        ln1_g.reshape(1, D), ln1_b.reshape(1, D), gate_wp)
    eid = jnp.concatenate([e0, e1], axis=1).reshape(ROWS, 128)
    pos, texp, used, zidx = _sortpos(eid)
    pos_flat = pos.reshape(SLOTS)
    tok = jnp.arange(SLOTS, dtype=jnp.int32) // TOPK
    z = _sc_dispatch(x2p, tok, pos_flat)
    y = _expert_ffn(z, texp.reshape(128), used.reshape(128), zidx.reshape(128),
                    e_w1, e_b1, e_w2, e_b2)
    ypairs = _sc_combine(y, pos_flat).reshape(N, D)
    out = _combine(x2, ypairs, w0, w1, ln2_g.reshape(1, D), ln2_b.reshape(1, D))
    return out.reshape(1, N, D)

# --- scband reference (transcript-rebuilt; emitter-appended) ---
"""Pipeline reference for scband-graphomer-layer-12919261626675 (READ-ONLY COPY).

The authoritative reference and input builder live on the scoring server;
editing this copy changes nothing except your own understanding.
"""

import jax, jax.numpy as jnp
import numpy as np

B, N, D = 1, 2048, 768
E, DFF, H, TOPK = 8, 1024, 12, 2


def _layernorm(x, g, b, eps=1e-5):
    m = jnp.mean(x, axis=-1, keepdims=True)
    v = jnp.mean((x - m) ** 2, axis=-1, keepdims=True)
    return (x - m) / jnp.sqrt(v + eps) * g + b


def setup_inputs(seed: int = 0):
    key = jax.random.key(seed)
    ks = jax.random.split(key, 12)
    init = lambda k, s: jax.random.normal(k, s, dtype=jnp.float32) * 0.02
    return {
        "x": jax.random.normal(ks[0], (B, N, D), dtype=jnp.float32),
        "adj": jax.random.uniform(ks[1], (B, N, N), dtype=jnp.float32),
        "gc_W": init(ks[2], (D, D)),
        "gc_b": jnp.zeros((D,), jnp.float32),
        "root_emb": init(ks[3], (1, D)),
        "in_proj_w": init(ks[4], (3 * D, D)),
        "in_proj_b": jnp.zeros((3 * D,), jnp.float32),
        "out_proj_w": init(ks[5], (D, D)),
        "out_proj_b": jnp.zeros((D,), jnp.float32),
        "ln1_g": jnp.ones((D,), jnp.float32),
        "ln1_b": jnp.zeros((D,), jnp.float32),
        "ln2_g": jnp.ones((D,), jnp.float32),
        "ln2_b": jnp.zeros((D,), jnp.float32),
        "gate_w": init(ks[6], (E, D)),
        "e_w1": init(ks[7], (E, DFF, D)),
        "e_b1": jnp.zeros((E, DFF), jnp.float32),
        "e_w2": init(ks[8], (E, D, DFF)),
        "e_b2": jnp.zeros((E, D), jnp.float32),
    }


def reference(x, adj, gc_W, gc_b, root_emb, in_proj_w, in_proj_b, out_proj_w, out_proj_b,
              ln1_g, ln1_b, ln2_g, ln2_b, gate_w, e_w1, e_b1, e_w2, e_b2):
    b, n, d = x.shape
    # GraphConv: bmm(adj, x) -> linear -> add root embedding (index 0)
    g = jnp.einsum('bij,bjd->bid', adj, x)
    g = g @ gc_W.T + gc_b
    g = g + root_emb[0][None, None, :]
    x = x + g
    # MultiheadAttention (torch semantics, eval mode, no mask)
    dh = d // H
    qkv = x @ in_proj_w.T + in_proj_b
    q, k, v = jnp.split(qkv, 3, axis=-1)
    q = q.reshape(b, n, H, dh)
    k = k.reshape(b, n, H, dh)
    v = v.reshape(b, n, H, dh)
    scores = jnp.einsum('bihd,bjhd->bhij', q, k) / jnp.sqrt(jnp.float32(dh))
    p = jax.nn.softmax(scores, axis=-1)
    attn = jnp.einsum('bhij,bjhd->bihd', p, v).reshape(b, n, d)
    attn = attn @ out_proj_w.T + out_proj_b
    x = _layernorm(x + attn, ln1_g, ln1_b)
    # MoE: top-k gating with renormalized probs; dense-equivalent combine
    xf = x.reshape(-1, d)
    gate_scores = xf @ gate_w.T
    gate_probs = jax.nn.softmax(gate_scores, axis=-1)
    top_vals, top_idx = jax.lax.top_k(gate_probs, TOPK)
    top_vals = top_vals / jnp.sum(top_vals, axis=-1, keepdims=True)
    combine = jnp.sum(top_vals[..., None] * jax.nn.one_hot(top_idx, E, dtype=xf.dtype), axis=1)
    h = jnp.einsum('td,efd->tef', xf, e_w1) + e_b1[None]
    h = jax.nn.gelu(h, approximate=False)
    y = jnp.einsum('tef,edf->ted', h, e_w2) + e_b2[None]
    moe_out = jnp.einsum('te,ted->td', combine, y).reshape(b, n, d)
    x = _layernorm(x + moe_out, ln2_g, ln2_b)
    return x

if __name__ == "__main__":
    import jax
    _d = setup_inputs()
    print(jax.jit(kernel)(*tuple(_d.values())))

</pallas_src>

<mosaic_0001>
#map = affine_map<(d0, d1) -> (0, 0)>
#map1 = affine_map<(d0, d1) -> (0)>
module attributes {stable_mosaic.version = 14 : i64} {
  func.func @_sc_combine_body(%arg0: i32, %arg1: i32, %arg2: memref<6144x384xi32, #tpu.memory_space<hbm>>, %arg3: memref<4096xi32, #tpu.memory_space<hbm>>, %arg4: memref<4096x384xi32, #tpu.memory_space<hbm>>, %arg5: memref<128xi32, #tpu.memory_space<vmem>>, %arg6: memref<128x384xi32, #tpu.memory_space<vmem>>, %arg7: memref<!tpu.dma_semaphore, #tpu.memory_space<semaphore_mem>>) attributes {dimension_semantics = [#tpu.dimension_semantics<core_parallel>, #tpu.dimension_semantics<subcore_parallel>], iteration_bounds = array<i64: 2, 16>, scalar_prefetch = 0 : i64, scratch_operands = 3 : i64, tpu.core_type = #tpu.core_type<sc_vector_subcore>, window_params = [{transform_indices = #map}, {transform_indices = #map1}, {transform_indices = #map}]} {
    %mul3A = arith.constant 2 : i32
    %mul3A_0 = arith.muli %arg1, %mul3A : i32
    %add3A = arith.addi %mul3A_0, %arg0 : i32
    %mul3A_1 = arith.constant 128 : i32
    %mul3A_2 = arith.muli %add3A, %mul3A_1 : i32
    "tpu.region"() ({
      %run_scoped3A = tpu.sem_alloc : memref<!tpu.dma_semaphore, #tpu.memory_space<semaphore_mem>>
      %dma_start3A_7 = tpu.memref_slice %arg3[%mul3A_2] : memref<4096xi32, #tpu.memory_space<hbm>> -> memref<128xi32, #tpu.memory_space<hbm>>
      %dma_start3A_8 = tpu.memref_slice %arg3[%mul3A_2] : memref<4096xi32, #tpu.memory_space<hbm>> -> memref<128xi32, #tpu.memory_space<hbm>>
      tpu.enqueue_dma source(%dma_start3A_8 : memref<128xi32, #tpu.memory_space<hbm>>) target(%arg5 : memref<128xi32, #tpu.memory_space<vmem>>) target_semaphore(%run_scoped3A : memref<!tpu.dma_semaphore, #tpu.memory_space<semaphore_mem>>)
      %dma_wait3A_9 = tpu.memref_slice %arg3[%mul3A_2] : memref<4096xi32, #tpu.memory_space<hbm>> -> memref<128xi32, #tpu.memory_space<hbm>>
      %dma_wait3A_10 = tpu.memref_slice %arg3[%mul3A_2] : memref<4096xi32, #tpu.memory_space<hbm>> -> memref<128xi32, #tpu.memory_space<hbm>>
      tpu.wait_dma2 semaphore(%run_scoped3A : memref<!tpu.dma_semaphore, #tpu.memory_space<semaphore_mem>>) src(%dma_wait3A_10 : memref<128xi32, #tpu.memory_space<hbm>>) dst(%arg5 : memref<128xi32, #tpu.memory_space<vmem>>)
      tpu.yield
    }) : () -> ()
    %dma_start3A = arith.constant 0 : i32
    %dma_start3A_3 = arith.constant 0 : i32
    %dma_start3A_4 = tpu.memref_slice %arg2[%dma_start3A, %dma_start3A_3] : memref<6144x384xi32, #tpu.memory_space<hbm>> -> memref<6144x384xi32, #tpu.memory_space<hbm>>
    tpu.enqueue_indirect_dma source(%dma_start3A_4 : memref<6144x384xi32, #tpu.memory_space<hbm>>) target(%arg6 : memref<128x384xi32, #tpu.memory_space<vmem>>) offsets(%arg5 : memref<128xi32, #tpu.memory_space<vmem>>) semaphore(%arg7 : memref<!tpu.dma_semaphore, #tpu.memory_space<semaphore_mem>>)
    %dma_wait3A = arith.constant 0 : i32
    %dma_wait3A_5 = arith.constant 0 : i32
    %dma_wait3A_6 = tpu.memref_slice %arg2[%dma_wait3A, %dma_wait3A_5] : memref<6144x384xi32, #tpu.memory_space<hbm>> -> memref<6144x384xi32, #tpu.memory_space<hbm>>
    tpu.wait_indirect_dma semaphore(%arg7 : memref<!tpu.dma_semaphore, #tpu.memory_space<semaphore_mem>>) src(%dma_wait3A_6 : memref<6144x384xi32, #tpu.memory_space<hbm>>) dst(%arg6 : memref<128x384xi32, #tpu.memory_space<vmem>>)
    "tpu.region"() ({
      %run_scoped3A = tpu.sem_alloc : memref<!tpu.dma_semaphore, #tpu.memory_space<semaphore_mem>>
      %dma_start3A_7 = arith.constant 0 : i32
      %dma_start3A_8 = tpu.memref_slice %arg4[%mul3A_2, %dma_start3A_7] : memref<4096x384xi32, #tpu.memory_space<hbm>> -> memref<128x384xi32, #tpu.memory_space<hbm>>
      %dma_start3A_9 = arith.constant 0 : i32
      %dma_start3A_10 = tpu.memref_slice %arg4[%mul3A_2, %dma_start3A_9] : memref<4096x384xi32, #tpu.memory_space<hbm>> -> memref<128x384xi32, #tpu.memory_space<hbm>>
      tpu.enqueue_dma source(%arg6 : memref<128x384xi32, #tpu.memory_space<vmem>>) target(%dma_start3A_10 : memref<128x384xi32, #tpu.memory_space<hbm>>) target_semaphore(%run_scoped3A : memref<!tpu.dma_semaphore, #tpu.memory_space<semaphore_mem>>)
      %dma_wait3A_11 = arith.constant 0 : i32
      %dma_wait3A_12 = tpu.memref_slice %arg4[%mul3A_2, %dma_wait3A_11] : memref<4096x384xi32, #tpu.memory_space<hbm>> -> memref<128x384xi32, #tpu.memory_space<hbm>>
      %dma_wait3A_13 = arith.constant 0 : i32
      %dma_wait3A_14 = tpu.memref_slice %arg4[%mul3A_2, %dma_wait3A_13] : memref<4096x384xi32, #tpu.memory_space<hbm>> -> memref<128x384xi32, #tpu.memory_space<hbm>>
      tpu.wait_dma2 semaphore(%run_scoped3A : memref<!tpu.dma_semaphore, #tpu.memory_space<semaphore_mem>>) src(%arg6 : memref<128x384xi32, #tpu.memory_space<vmem>>) dst(%dma_wait3A_14 : memref<128x384xi32, #tpu.memory_space<hbm>>)
      tpu.yield
    }) : () -> ()
    return
  }
}

#map = affine_map<(d0, d1) -> (0, 0)>
#map1 = affine_map<(d0, d1) -> (0)>
module attributes {stable_mosaic.version = 14 : i64} {
  func.func @_sc_dispatch_body(%arg0: i32, %arg1: i32, %arg2: memref<2048x384xi32, #tpu.memory_space<hbm>>, %arg3: memref<4096xi32, #tpu.memory_space<hbm>>, %arg4: memref<4096xi32, #tpu.memory_space<hbm>>, %arg5: memref<6144x384xi32, #tpu.memory_space<hbm>>, %arg6: memref<128xi32, #tpu.memory_space<vmem>>, %arg7: memref<128xi32, #tpu.memory_space<vmem>>, %arg8: memref<128x384xi32, #tpu.memory_space<vmem>>, %arg9: memref<!tpu.dma_semaphore, #tpu.memory_space<semaphore_mem>>) attributes {dimension_semantics = [#tpu.dimension_semantics<core_parallel>, #tpu.dimension_semantics<subcore_parallel>], iteration_bounds = array<i64: 2, 16>, scalar_prefetch = 0 : i64, scratch_operands = 4 : i64, tpu.core_type = #tpu.core_type<sc_vector_subcore>, window_params = [{transform_indices = #map}, {transform_indices = #map1}, {transform_indices = #map1}, {transform_indices = #map}]} {
    %mul3A = arith.constant 2 : i32
    %mul3A_0 = arith.muli %arg1, %mul3A : i32
    %add3A = arith.addi %mul3A_0, %arg0 : i32
    %mul3A_1 = arith.constant 128 : i32
    %mul3A_2 = arith.muli %add3A, %mul3A_1 : i32
    "tpu.region"() ({
      %run_scoped3A = tpu.sem_alloc : memref<!tpu.dma_semaphore, #tpu.memory_space<semaphore_mem>>
      %dma_start3A_13 = tpu.memref_slice %arg3[%mul3A_2] : memref<4096xi32, #tpu.memory_space<hbm>> -> memref<128xi32, #tpu.memory_space<hbm>>
      %dma_start3A_14 = tpu.memref_slice %arg3[%mul3A_2] : memref<4096xi32, #tpu.memory_space<hbm>> -> memref<128xi32, #tpu.memory_space<hbm>>
      tpu.enqueue_dma source(%dma_start3A_14 : memref<128xi32, #tpu.memory_space<hbm>>) target(%arg6 : memref<128xi32, #tpu.memory_space<vmem>>) target_semaphore(%run_scoped3A : memref<!tpu.dma_semaphore, #tpu.memory_space<semaphore_mem>>)
      %dma_wait3A_15 = tpu.memref_slice %arg3[%mul3A_2] : memref<4096xi32, #tpu.memory_space<hbm>> -> memref<128xi32, #tpu.memory_space<hbm>>
      %dma_wait3A_16 = tpu.memref_slice %arg3[%mul3A_2] : memref<4096xi32, #tpu.memory_space<hbm>> -> memref<128xi32, #tpu.memory_space<hbm>>
      tpu.wait_dma2 semaphore(%run_scoped3A : memref<!tpu.dma_semaphore, #tpu.memory_space<semaphore_mem>>) src(%dma_wait3A_16 : memref<128xi32, #tpu.memory_space<hbm>>) dst(%arg6 : memref<128xi32, #tpu.memory_space<vmem>>)
      tpu.yield
    }) : () -> ()
    "tpu.region"() ({
      %run_scoped3A = tpu.sem_alloc : memref<!tpu.dma_semaphore, #tpu.memory_space<semaphore_mem>>
      %dma_start3A_13 = tpu.memref_slice %arg4[%mul3A_2] : memref<4096xi32, #tpu.memory_space<hbm>> -> memref<128xi32, #tpu.memory_space<hbm>>
      %dma_start3A_14 = tpu.memref_slice %arg4[%mul3A_2] : memref<4096xi32, #tpu.memory_space<hbm>> -> memref<128xi32, #tpu.memory_space<hbm>>
      tpu.enqueue_dma source(%dma_start3A_14 : memref<128xi32, #tpu.memory_space<hbm>>) target(%arg7 : memref<128xi32, #tpu.memory_space<vmem>>) target_semaphore(%run_scoped3A : memref<!tpu.dma_semaphore, #tpu.memory_space<semaphore_mem>>)
      %dma_wait3A_15 = tpu.memref_slice %arg4[%mul3A_2] : memref<4096xi32, #tpu.memory_space<hbm>> -> memref<128xi32, #tpu.memory_space<hbm>>
      %dma_wait3A_16 = tpu.memref_slice %arg4[%mul3A_2] : memref<4096xi32, #tpu.memory_space<hbm>> -> memref<128xi32, #tpu.memory_space<hbm>>
      tpu.wait_dma2 semaphore(%run_scoped3A : memref<!tpu.dma_semaphore, #tpu.memory_space<semaphore_mem>>) src(%dma_wait3A_16 : memref<128xi32, #tpu.memory_space<hbm>>) dst(%arg7 : memref<128xi32, #tpu.memory_space<vmem>>)
      tpu.yield
    }) : () -> ()
    %dma_start3A = arith.constant 0 : i32
    %dma_start3A_3 = arith.constant 0 : i32
    %dma_start3A_4 = tpu.memref_slice %arg2[%dma_start3A, %dma_start3A_3] : memref<2048x384xi32, #tpu.memory_space<hbm>> -> memref<2048x384xi32, #tpu.memory_space<hbm>>
    tpu.enqueue_indirect_dma source(%dma_start3A_4 : memref<2048x384xi32, #tpu.memory_space<hbm>>) target(%arg8 : memref<128x384xi32, #tpu.memory_space<vmem>>) offsets(%arg6 : memref<128xi32, #tpu.memory_space<vmem>>) semaphore(%arg9 : memref<!tpu.dma_semaphore, #tpu.memory_space<semaphore_mem>>)
    %dma_wait3A = arith.constant 0 : i32
    %dma_wait3A_5 = arith.constant 0 : i32
    %dma_wait3A_6 = tpu.memref_slice %arg2[%dma_wait3A, %dma_wait3A_5] : memref<2048x384xi32, #tpu.memory_space<hbm>> -> memref<2048x384xi32, #tpu.memory_space<hbm>>
    tpu.wait_indirect_dma semaphore(%arg9 : memref<!tpu.dma_semaphore, #tpu.memory_space<semaphore_mem>>) src(%dma_wait3A_6 : memref<2048x384xi32, #tpu.memory_space<hbm>>) dst(%arg8 : memref<128x384xi32, #tpu.memory_space<vmem>>)
    %dma_start3A_7 = arith.constant 0 : i32
    %dma_start3A_8 = arith.constant 0 : i32
    %dma_start3A_9 = tpu.memref_slice %arg5[%dma_start3A_7, %dma_start3A_8] : memref<6144x384xi32, #tpu.memory_space<hbm>> -> memref<6144x384xi32, #tpu.memory_space<hbm>>
    tpu.enqueue_indirect_dma source(%arg8 : memref<128x384xi32, #tpu.memory_space<vmem>>) target(%dma_start3A_9 : memref<6144x384xi32, #tpu.memory_space<hbm>>) offsets(%arg7 : memref<128xi32, #tpu.memory_space<vmem>>) semaphore(%arg9 : memref<!tpu.dma_semaphore, #tpu.memory_space<semaphore_mem>>)
    %dma_wait3A_10 = arith.constant 0 : i32
    %dma_wait3A_11 = arith.constant 0 : i32
    %dma_wait3A_12 = tpu.memref_slice %arg5[%dma_wait3A_10, %dma_wait3A_11] : memref<6144x384xi32, #tpu.memory_space<hbm>> -> memref<6144x384xi32, #tpu.memory_space<hbm>>
    tpu.wait_indirect_dma semaphore(%arg9 : memref<!tpu.dma_semaphore, #tpu.memory_space<semaphore_mem>>) src(%arg8 : memref<128x384xi32, #tpu.memory_space<vmem>>) dst(%dma_wait3A_12 : memref<6144x384xi32, #tpu.memory_space<hbm>>)
    return
  }
}

module attributes {stable_mosaic.version = 14 : i64} {
  func.func @_gconv_qkv_body(%arg0: i32, %arg1: memref<512x2048xf32, #tpu.memory_space<vmem>>, %arg2: memref<2048x768xf32, #tpu.memory_space<vmem>>, %arg3: memref<512x768xf32, #tpu.memory_space<vmem>>, %arg4: memref<768x768xf32, #tpu.memory_space<vmem>>, %arg5: memref<1x768xf32, #tpu.memory_space<vmem>>, %arg6: memref<1x768xf32, #tpu.memory_space<vmem>>, %arg7: memref<2304x768xf32, #tpu.memory_space<vmem>>, %arg8: memref<1x2304xf32, #tpu.memory_space<vmem>>, %arg9: memref<512x768xf32, #tpu.memory_space<vmem>>, %arg10: memref<512x768xbf16, #tpu.memory_space<vmem>>, %arg11: memref<512x768xbf16, #tpu.memory_space<vmem>>, %arg12: memref<512x768xbf16, #tpu.memory_space<vmem>>) attributes {dimension_semantics = [#tpu.dimension_semantics<arbitrary>], iteration_bounds = array<i64: 4>, scalar_prefetch = 0 : i64, scratch_operands = 0 : i64, tpu.core_type = #tpu.core_type<tc>, window_params = [{transform_indices = @transform_0, window_bounds = array<i64: 512, 2048>}, {pipeline_mode = #tpu.pipeline_mode<synchronous>, transform_indices = @transform_1, window_bounds = array<i64: 2048, 768>}, {transform_indices = @transform_2, window_bounds = array<i64: 512, 768>}, {pipeline_mode = #tpu.pipeline_mode<synchronous>, transform_indices = @transform_3, window_bounds = array<i64: 768, 768>}, {pipeline_mode = #tpu.pipeline_mode<synchronous>, transform_indices = @transform_4, window_bounds = array<i64: 1, 768>}, {pipeline_mode = #tpu.pipeline_mode<synchronous>, transform_indices = @transform_5, window_bounds = array<i64: 1, 768>}, {pipeline_mode = #tpu.pipeline_mode<synchronous>, transform_indices = @transform_6, window_bounds = array<i64: 2304, 768>}, {pipeline_mode = #tpu.pipeline_mode<synchronous>, transform_indices = @transform_7, window_bounds = array<i64: 1, 2304>}, {transform_indices = @transform_8, window_bounds = array<i64: 512, 768>}, {transform_indices = @transform_9, window_bounds = array<i64: 512, 768>}, {transform_indices = @transform_10, window_bounds = array<i64: 512, 768>}, {transform_indices = @transform_11, window_bounds = array<i64: 512, 768>}]} {
    %get3A = arith.constant 0 : index
    %get3A_0 = arith.constant 0 : index
    %get3A_1 = vector.load %arg1[%get3A, %get3A_0] : memref<512x2048xf32, #tpu.memory_space<vmem>>, vector<512x2048xf32>
    %convert_element_type3A = arith.truncf %get3A_1 : vector<512x2048xf32> to vector<512x2048xbf16>
    %get3A_2 = arith.constant 0 : index
    %get3A_3 = arith.constant 0 : index
    %get3A_4 = vector.load %arg2[%get3A_2, %get3A_3] : memref<2048x768xf32, #tpu.memory_space<vmem>>, vector<2048x768xf32>
    %convert_element_type3A_5 = arith.truncf %get3A_4 : vector<2048x768xf32> to vector<2048x768xbf16>
    %dot_general3A = arith.constant dense<0.000000e+00> : vector<512x768xf32>
    %dot_general3A_6 = tpu.matmul %convert_element_type3A, %convert_element_type3A_5, %dot_general3A {dimension_numbers = #tpu.dot_dimension_numbers<[1], [0], [0], [1], [0, 0, 1, 1], [], []>, transpose_lhs_hint = false} : vector<512x2048xbf16>, vector<2048x768xbf16>, vector<512x768xf32> -> vector<512x768xf32>
    %convert_element_type3A_7 = arith.truncf %dot_general3A_6 : vector<512x768xf32> to vector<512x768xbf16>
    %get3A_8 = arith.constant 0 : index
    %get3A_9 = arith.constant 0 : index
    %get3A_10 = vector.load %arg4[%get3A_8, %get3A_9] : memref<768x768xf32, #tpu.memory_space<vmem>>, vector<768x768xf32>
    %convert_element_type3A_11 = arith.truncf %get3A_10 : vector<768x768xf32> to vector<768x768xbf16>
    %dot_general3A_12 = arith.constant dense<0.000000e+00> : vector<512x768xf32>
    %dot_general3A_13 = tpu.matmul %convert_element_type3A_7, %convert_element_type3A_11, %dot_general3A_12 {dimension_numbers = #tpu.dot_dimension_numbers<[1], [1], [0], [0], [0, 0, 1, 0], [], []>, transpose_lhs_hint = false} : vector<512x768xbf16>, vector<768x768xbf16>, vector<512x768xf32> -> vector<512x768xf32>
    %get3A_14 = arith.constant 0 : index
    %get3A_15 = arith.constant 0 : index
    %get3A_16 = vector.load %arg5[%get3A_14, %get3A_15] : memref<1x768xf32, #tpu.memory_space<vmem>>, vector<1x768xf32>
    %add3A = vector.broadcast %get3A_16 : vector<1x768xf32> to vector<512x768xf32>
    %add3A_17 = arith.addf %dot_general3A_13, %add3A : vector<512x768xf32>
    %get3A_18 = arith.constant 0 : index
    %get3A_19 = arith.constant 0 : index
    %get3A_20 = vector.load %arg6[%get3A_18, %get3A_19] : memref<1x768xf32, #tpu.memory_space<vmem>>, vector<1x768xf32>
    %add3A_21 = vector.broadcast %get3A_20 : vector<1x768xf32> to vector<512x768xf32>
    %add3A_22 = arith.addf %add3A_17, %add3A_21 : vector<512x768xf32>
    %get3A_23 = arith.constant 0 : index
    %get3A_24 = arith.constant 0 : index
    %get3A_25 = vector.load %arg3[%get3A_23, %get3A_24] : memref<512x768xf32, #tpu.memory_space<vmem>>, vector<512x768xf32>
    %add3A_26 = arith.addf %get3A_25, %add3A_22 : vector<512x768xf32>
    %swap3A = arith.constant 0 : index
    %swap3A_27 = arith.constant 0 : index
    %swap3A_28 = vector.load %arg9[%swap3A, %swap3A_27] : memref<512x768xf32, #tpu.memory_space<vmem>>, vector<512x768xf32>
    tpu.vector_store %arg9[%swap3A, %swap3A_27], %add3A_26 {strides = array<i32>} : memref<512x768xf32, #tpu.memory_space<vmem>>, vector<512x768xf32>,
    %convert_element_type3A_29 = arith.truncf %add3A_26 : vector<512x768xf32> to vector<512x768xbf16>
    %get3A_30 = arith.constant 0 : index
    %get3A_31 = arith.constant 0 : index
    %get3A_32 = vector.load %arg7[%get3A_30, %get3A_31] : memref<2304x768xf32, #tpu.memory_space<vmem>>, vector<2304x768xf32>
    %convert_element_type3A_33 = arith.truncf %get3A_32 : vector<2304x768xf32> to vector<2304x768xbf16>
    %dot_general3A_34 = arith.constant dense<0.000000e+00> : vector<512x2304xf32>
    %dot_general3A_35 = tpu.matmul %convert_element_type3A_29, %convert_element_type3A_33, %dot_general3A_34 {dimension_numbers = #tpu.dot_dimension_numbers<[1], [1], [0], [0], [0, 0, 1, 0], [], []>, transpose_lhs_hint = false} : vector<512x768xbf16>, vector<2304x768xbf16>, vector<512x2304xf32> -> vector<512x2304xf32>
    %get3A_36 = arith.constant 0 : index
    %get3A_37 = arith.constant 0 : index
    %get3A_38 = vector.load %arg8[%get3A_36, %get3A_37] : memref<1x2304xf32, #tpu.memory_space<vmem>>, vector<1x2304xf32>
    %add3A_39 = vector.broadcast %get3A_38 : vector<1x2304xf32> to vector<512x2304xf32>
    %add3A_40 = arith.addf %dot_general3A_35, %add3A_39 : vector<512x2304xf32>
    %slice3A = vector.extract_strided_slice %add3A_40 {offsets = [0, 0], sizes = [512, 768], strides = [1, 1]} : vector<512x2304xf32> to vector<512x768xf32>
    %mul3A = arith.constant 1.250000e-01 : f32
    %mul3A_41 = vector.broadcast %mul3A : f32 to vector<512x768xf32>
    %mul3A_42 = arith.mulf %slice3A, %mul3A_41 : vector<512x768xf32>
    %convert_element_type3A_43 = arith.truncf %mul3A_42 : vector<512x768xf32> to vector<512x768xbf16>
    %swap3A_44 = arith.constant 0 : index
    %swap3A_45 = arith.constant 0 : index
    %swap3A_46 = vector.load %arg10[%swap3A_44, %swap3A_45] : memref<512x768xbf16, #tpu.memory_space<vmem>>, vector<512x768xbf16>
    tpu.vector_store %arg10[%swap3A_44, %swap3A_45], %convert_element_type3A_43 {strides = array<i32>} : memref<512x768xbf16, #tpu.memory_space<vmem>>, vector<512x768xbf16>,
    %slice3A_47 = vector.extract_strided_slice %add3A_40 {offsets = [0, 768], sizes = [512, 768], strides = [1, 1]} : vector<512x2304xf32> to vector<512x768xf32>
    %convert_element_type3A_48 = arith.truncf %slice3A_47 : vector<512x768xf32> to vector<512x768xbf16>
    %swap3A_49 = arith.constant 0 : index
    %swap3A_50 = arith.constant 0 : index
    %swap3A_51 = vector.load %arg11[%swap3A_49, %swap3A_50] : memref<512x768xbf16, #tpu.memory_space<vmem>>, vector<512x768xbf16>
    tpu.vector_store %arg11[%swap3A_49, %swap3A_50], %convert_element_type3A_48 {strides = array<i32>} : memref<512x768xbf16, #tpu.memory_space<vmem>>, vector<512x768xbf16>,
    %slice3A_52 = vector.extract_strided_slice %add3A_40 {offsets = [0, 1536], sizes = [512, 768], strides = [1, 1]} : vector<512x2304xf32> to vector<512x768xf32>
    %convert_element_type3A_53 = arith.truncf %slice3A_52 : vector<512x768xf32> to vector<512x768xbf16>
    %swap3A_54 = arith.constant 0 : index
    %swap3A_55 = arith.constant 0 : index
    %swap3A_56 = vector.load %arg12[%swap3A_54, %swap3A_55] : memref<512x768xbf16, #tpu.memory_space<vmem>>, vector<512x768xbf16>
    tpu.vector_store %arg12[%swap3A_54, %swap3A_55], %convert_element_type3A_53 {strides = array<i32>} : memref<512x768xbf16, #tpu.memory_space<vmem>>, vector<512x768xbf16>,
    return
  }
  func.func @transform_0(%arg0: i32) -> (i32, i32) {
    %c0_i32 = arith.constant 0 : i32
    %c0_i32_0 = arith.constant 0 : i32
    return %arg0, %c0_i32 : i32, i32
  }
  func.func @transform_1(%arg0: i32) -> (i32, i32) {
    %c0_i32 = arith.constant 0 : i32
    %c0_i32_0 = arith.constant 0 : i32
    %c0_i32_1 = arith.constant 0 : i32
    return %c0_i32, %c0_i32_0 : i32, i32
  }
  func.func @transform_2(%arg0: i32) -> (i32, i32) {
    %c0_i32 = arith.constant 0 : i32
    %c0_i32_0 = arith.constant 0 : i32
    return %arg0, %c0_i32 : i32, i32
  }
  func.func @transform_3(%arg0: i32) -> (i32, i32) {
    %c0_i32 = arith.constant 0 : i32
    %c0_i32_0 = arith.constant 0 : i32
    %c0_i32_1 = arith.constant 0 : i32
    return %c0_i32, %c0_i32_0 : i32, i32
  }
  func.func @transform_4(%arg0: i32) -> (i32, i32) {
    %c0_i32 = arith.constant 0 : i32
    %c0_i32_0 = arith.constant 0 : i32
    %c0_i32_1 = arith.constant 0 : i32
    return %c0_i32, %c0_i32_0 : i32, i32
  }
  func.func @transform_5(%arg0: i32) -> (i32, i32) {
    %c0_i32 = arith.constant 0 : i32
    %c0_i32_0 = arith.constant 0 : i32
    %c0_i32_1 = arith.constant 0 : i32
    return %c0_i32, %c0_i32_0 : i32, i32
  }
  func.func @transform_6(%arg0: i32) -> (i32, i32) {
    %c0_i32 = arith.constant 0 : i32
    %c0_i32_0 = arith.constant 0 : i32
    %c0_i32_1 = arith.constant 0 : i32
    return %c0_i32, %c0_i32_0 : i32, i32
  }
  func.func @transform_7(%arg0: i32) -> (i32, i32) {
    %c0_i32 = arith.constant 0 : i32
    %c0_i32_0 = arith.constant 0 : i32
    %c0_i32_1 = arith.constant 0 : i32
    return %c0_i32, %c0_i32_0 : i32, i32
  }
  func.func @transform_8(%arg0: i32) -> (i32, i32) {
    %c0_i32 = arith.constant 0 : i32
    %c0_i32_0 = arith.constant 0 : i32
    return %arg0, %c0_i32 : i32, i32
  }
  func.func @transform_9(%arg0: i32) -> (i32, i32) {
    %c0_i32 = arith.constant 0 : i32
    %c0_i32_0 = arith.constant 0 : i32
    return %arg0, %c0_i32 : i32, i32
  }
  func.func @transform_10(%arg0: i32) -> (i32, i32) {
    %c0_i32 = arith.constant 0 : i32
    %c0_i32_0 = arith.constant 0 : i32
    return %arg0, %c0_i32 : i32, i32
  }
  func.func @transform_11(%arg0: i32) -> (i32, i32) {
    %c0_i32 = arith.constant 0 : i32
    %c0_i32_0 = arith.constant 0 : i32
    return %arg0, %c0_i32 : i32, i32
  }
}

module attributes {stable_mosaic.version = 14 : i64} {
  func.func @_attn_gate_body(%arg0: i32, %arg1: memref<512x768xbf16, #tpu.memory_space<vmem>>, %arg2: memref<2048x768xbf16, #tpu.memory_space<vmem>>, %arg3: memref<2048x768xbf16, #tpu.memory_space<vmem>>, %arg4: memref<512x768xf32, #tpu.memory_space<vmem>>, %arg5: memref<768x768xf32, #tpu.memory_space<vmem>>, %arg6: memref<1x768xf32, #tpu.memory_space<vmem>>, %arg7: memref<1x768xf32, #tpu.memory_space<vmem>>, %arg8: memref<1x768xf32, #tpu.memory_space<vmem>>, %arg9: memref<128x768xf32, #tpu.memory_space<vmem>>, %arg10: memref<512x768xf32, #tpu.memory_space<vmem>>, %arg11: memref<512x384xi32, #tpu.memory_space<vmem>>, %arg12: memref<512x1xi32, #tpu.memory_space<vmem>>, %arg13: memref<512x1xi32, #tpu.memory_space<vmem>>, %arg14: memref<512x1xf32, #tpu.memory_space<vmem>>, %arg15: memref<512x1xf32, #tpu.memory_space<vmem>>) attributes {dimension_semantics = [#tpu.dimension_semantics<arbitrary>], iteration_bounds = array<i64: 4>, scalar_prefetch = 0 : i64, scratch_operands = 0 : i64, tpu.core_type = #tpu.core_type<tc>, window_params = [{transform_indices = @transform_0, window_bounds = array<i64: 512, 768>}, {pipeline_mode = #tpu.pipeline_mode<synchronous>, transform_indices = @transform_1, window_bounds = array<i64: 2048, 768>}, {pipeline_mode = #tpu.pipeline_mode<synchronous>, transform_indices = @transform_2, window_bounds = array<i64: 2048, 768>}, {transform_indices = @transform_3, window_bounds = array<i64: 512, 768>}, {pipeline_mode = #tpu.pipeline_mode<synchronous>, transform_indices = @transform_4, window_bounds = array<i64: 768, 768>}, {pipeline_mode = #tpu.pipeline_mode<synchronous>, transform_indices = @transform_5, window_bounds = array<i64: 1, 768>}, {pipeline_mode = #tpu.pipeline_mode<synchronous>, transform_indices = @transform_6, window_bounds = array<i64: 1, 768>}, {pipeline_mode = #tpu.pipeline_mode<synchronous>, transform_indices = @transform_7, window_bounds = array<i64: 1, 768>}, {pipeline_mode = #tpu.pipeline_mode<synchronous>, transform_indices = @transform_8, window_bounds = array<i64: 128, 768>}, {transform_indices = @transform_9, window_bounds = array<i64: 512, 768>}, {transform_indices = @transform_10, window_bounds = array<i64: 512, 384>}, {transform_indices = @transform_11, window_bounds = array<i64: 512, 1>}, {transform_indices = @transform_12, window_bounds = array<i64: 512, 1>}, {transform_indices = @transform_13, window_bounds = array<i64: 512, 1>}, {transform_indices = @transform_14, window_bounds = array<i64: 512, 1>}]} {
    %get3A = arith.constant 0 : index
    %get3A_0 = arith.constant 0 : index
    %get3A_1 = vector.load %arg2[%get3A, %get3A_0] : memref<2048x768xbf16, #tpu.memory_space<vmem>>, vector<2048x768xbf16>
    %get3A_2 = arith.constant 0 : index
    %get3A_3 = arith.constant 0 : index
    %get3A_4 = vector.load %arg3[%get3A_2, %get3A_3] : memref<2048x768xbf16, #tpu.memory_space<vmem>>, vector<2048x768xbf16>
    %get3A_5 = arith.constant 0 : index
    %get3A_6 = arith.constant 0 : index
    %get3A_7 = vector.load %arg1[%get3A_5, %get3A_6] : memref<512x768xbf16, #tpu.memory_space<vmem>>, vector<512x64xbf16>
    %slice3A = vector.extract_strided_slice %get3A_1 {offsets = [0, 0], sizes = [2048, 64], strides = [1, 1]} : vector<2048x768xbf16> to vector<2048x64xbf16>
    %slice3A_8 = vector.extract_strided_slice %get3A_4 {offsets = [0, 0], sizes = [2048, 64], strides = [1, 1]} : vector<2048x768xbf16> to vector<2048x64xbf16>
    %dot_general3A = arith.constant dense<0.000000e+00> : vector<512x2048xf32>
    %dot_general3A_9 = tpu.matmul %get3A_7, %slice3A, %dot_general3A {dimension_numbers = #tpu.dot_dimension_numbers<[1], [1], [0], [0], [0, 0, 1, 0], [], []>, transpose_lhs_hint = false} : vector<512x64xbf16>, vector<2048x64xbf16>, vector<512x2048xf32> -> vector<512x2048xf32>
    %reduce_max3A = arith.constant dense<0xFF800000> : vector<512xf32>
    %reduce_max3A_10 = vector.multi_reduction <maximumf>, %dot_general3A_9, %reduce_max3A [1] : vector<512x2048xf32> to vector<512xf32>
    %broadcast_in_dim3A = vector.shape_cast %reduce_max3A_10 : vector<512xf32> to vector<512x1xf32>
    %sub3A = vector.broadcast %broadcast_in_dim3A : vector<512x1xf32> to vector<512x2048xf32>
    %sub3A_11 = arith.subf %dot_general3A_9, %sub3A : vector<512x2048xf32>
    %exp3A = math.exp %sub3A_11 : vector<512x2048xf32>
    %reduce_sum3A = arith.constant dense<0.000000e+00> : vector<512xf32>
    %reduce_sum3A_12 = vector.multi_reduction <add>, %exp3A, %reduce_sum3A [1] : vector<512x2048xf32> to vector<512xf32>
    %broadcast_in_dim3A_13 = vector.shape_cast %reduce_sum3A_12 : vector<512xf32> to vector<512x1xf32>
    %div3A = arith.constant 1.000000e+00 : f32
    %div3A_14 = vector.broadcast %div3A : f32 to vector<512x1xf32>
    %div3A_15 = arith.divf %div3A_14, %broadcast_in_dim3A_13 : vector<512x1xf32>
    %mul3A = vector.broadcast %div3A_15 : vector<512x1xf32> to vector<512x2048xf32>
    %mul3A_16 = arith.mulf %exp3A, %mul3A : vector<512x2048xf32>
    %convert_element_type3A = arith.truncf %mul3A_16 : vector<512x2048xf32> to vector<512x2048xbf16>
    %dot_general3A_17 = arith.constant dense<0.000000e+00> : vector<512x64xf32>
    %dot_general3A_18 = tpu.matmul %convert_element_type3A, %slice3A_8, %dot_general3A_17 {dimension_numbers = #tpu.dot_dimension_numbers<[1], [0], [0], [1], [0, 0, 1, 1], [], []>, transpose_lhs_hint = false} : vector<512x2048xbf16>, vector<2048x64xbf16>, vector<512x64xf32> -> vector<512x64xf32>
    %get3A_19 = arith.constant 0 : index
    %get3A_20 = arith.constant 64 : index
    %get3A_21 = vector.load %arg1[%get3A_19, %get3A_20] : memref<512x768xbf16, #tpu.memory_space<vmem>>, vector<512x64xbf16>
    %slice3A_22 = vector.extract_strided_slice %get3A_1 {offsets = [0, 64], sizes = [2048, 64], strides = [1, 1]} : vector<2048x768xbf16> to vector<2048x64xbf16>
    %slice3A_23 = vector.extract_strided_slice %get3A_4 {offsets = [0, 64], sizes = [2048, 64], strides = [1, 1]} : vector<2048x768xbf16> to vector<2048x64xbf16>
    %dot_general3A_24 = arith.constant dense<0.000000e+00> : vector<512x2048xf32>
    %dot_general3A_25 = tpu.matmul %get3A_21, %slice3A_22, %dot_general3A_24 {dimension_numbers = #tpu.dot_dimension_numbers<[1], [1], [0], [0], [0, 0, 1, 0], [], []>, transpose_lhs_hint = false} : vector<512x64xbf16>, vector<2048x64xbf16>, vector<512x2048xf32> -> vector<512x2048xf32>
    %reduce_max3A_26 = arith.constant dense<0xFF800000> : vector<512xf32>
    %reduce_max3A_27 = vector.multi_reduction <maximumf>, %dot_general3A_25, %reduce_max3A_26 [1] : vector<512x2048xf32> to vector<512xf32>
    %broadcast_in_dim3A_28 = vector.shape_cast %reduce_max3A_27 : vector<512xf32> to vector<512x1xf32>
    %sub3A_29 = vector.broadcast %broadcast_in_dim3A_28 : vector<512x1xf32> to vector<512x2048xf32>
    %sub3A_30 = arith.subf %dot_general3A_25, %sub3A_29 : vector<512x2048xf32>
    %exp3A_31 = math.exp %sub3A_30 : vector<512x2048xf32>
    %reduce_sum3A_32 = arith.constant dense<0.000000e+00> : vector<512xf32>
    %reduce_sum3A_33 = vector.multi_reduction <add>, %exp3A_31, %reduce_sum3A_32 [1] : vector<512x2048xf32> to vector<512xf32>
    %broadcast_in_dim3A_34 = vector.shape_cast %reduce_sum3A_33 : vector<512xf32> to vector<512x1xf32>
    %div3A_35 = arith.constant 1.000000e+00 : f32
    %div3A_36 = vector.broadcast %div3A_35 : f32 to vector<512x1xf32>
    %div3A_37 = arith.divf %div3A_36, %broadcast_in_dim3A_34 : vector<512x1xf32>
    %mul3A_38 = vector.broadcast %div3A_37 : vector<512x1xf32> to vector<512x2048xf32>
    %mul3A_39 = arith.mulf %exp3A_31, %mul3A_38 : vector<512x2048xf32>
    %convert_element_type3A_40 = arith.truncf %mul3A_39 : vector<512x2048xf32> to vector<512x2048xbf16>
    %dot_general3A_41 = arith.constant dense<0.000000e+00> : vector<512x64xf32>
    %dot_general3A_42 = tpu.matmul %convert_element_type3A_40, %slice3A_23, %dot_general3A_41 {dimension_numbers = #tpu.dot_dimension_numbers<[1], [0], [0], [1], [0, 0, 1, 1], [], []>, transpose_lhs_hint = false} : vector<512x2048xbf16>, vector<2048x64xbf16>, vector<512x64xf32> -> vector<512x64xf32>
    %get3A_43 = arith.constant 0 : index
    %get3A_44 = arith.constant 128 : index
    %get3A_45 = vector.load %arg1[%get3A_43, %get3A_44] : memref<512x768xbf16, #tpu.memory_space<vmem>>, vector<512x64xbf16>
    %slice3A_46 = vector.extract_strided_slice %get3A_1 {offsets = [0, 128], sizes = [2048, 64], strides = [1, 1]} : vector<2048x768xbf16> to vector<2048x64xbf16>
    %slice3A_47 = vector.extract_strided_slice %get3A_4 {offsets = [0, 128], sizes = [2048, 64], strides = [1, 1]} : vector<2048x768xbf16> to vector<2048x64xbf16>
    %dot_general3A_48 = arith.constant dense<0.000000e+00> : vector<512x2048xf32>
    %dot_general3A_49 = tpu.matmul %get3A_45, %slice3A_46, %dot_general3A_48 {dimension_numbers = #tpu.dot_dimension_numbers<[1], [1], [0], [0], [0, 0, 1, 0], [], []>, transpose_lhs_hint = false} : vector<512x64xbf16>, vector<2048x64xbf16>, vector<512x2048xf32> -> vector<512x2048xf32>
    %reduce_max3A_50 = arith.constant dense<0xFF800000> : vector<512xf32>
    %reduce_max3A_51 = vector.multi_reduction <maximumf>, %dot_general3A_49, %reduce_max3A_50 [1] : vector<512x2048xf32> to vector<512xf32>
    %broadcast_in_dim3A_52 = vector.shape_cast %reduce_max3A_51 : vector<512xf32> to vector<512x1xf32>
    %sub3A_53 = vector.broadcast %broadcast_in_dim3A_52 : vector<512x1xf32> to vector<512x2048xf32>
    %sub3A_54 = arith.subf %dot_general3A_49, %sub3A_53 : vector<512x2048xf32>
    %exp3A_55 = math.exp %sub3A_54 : vector<512x2048xf32>
    %reduce_sum3A_56 = arith.constant dense<0.000000e+00> : vector<512xf32>
    %reduce_sum3A_57 = vector.multi_reduction <add>, %exp3A_55, %reduce_sum3A_56 [1] : vector<512x2048xf32> to vector<512xf32>
    %broadcast_in_dim3A_58 = vector.shape_cast %reduce_sum3A_57 : vector<512xf32> to vector<512x1xf32>
    %div3A_59 = arith.constant 1.000000e+00 : f32
    %div3A_60 = vector.broadcast %div3A_59 : f32 to vector<512x1xf32>
    %div3A_61 = arith.divf %div3A_60, %broadcast_in_dim3A_58 : vector<512x1xf32>
    %mul3A_62 = vector.broadcast %div3A_61 : vector<512x1xf32> to vector<512x2048xf32>
    %mul3A_63 = arith.mulf %exp3A_55, %mul3A_62 : vector<512x2048xf32>
    %convert_element_type3A_64 = arith.truncf %mul3A_63 : vector<512x2048xf32> to vector<512x2048xbf16>
    %dot_general3A_65 = arith.constant dense<0.000000e+00> : vector<512x64xf32>
    %dot_general3A_66 = tpu.matmul %convert_element_type3A_64, %slice3A_47, %dot_general3A_65 {dimension_numbers = #tpu.dot_dimension_numbers<[1], [0], [0], [1], [0, 0, 1, 1], [], []>, transpose_lhs_hint = false} : vector<512x2048xbf16>, vector<2048x64xbf16>, vector<512x64xf32> -> vector<512x64xf32>
    %get3A_67 = arith.constant 0 : index
    %get3A_68 = arith.constant 192 : index
    %get3A_69 = vector.load %arg1[%get3A_67, %get3A_68] : memref<512x768xbf16, #tpu.memory_space<vmem>>, vector<512x64xbf16>
    %slice3A_70 = vector.extract_strided_slice %get3A_1 {offsets = [0, 192], sizes = [2048, 64], strides = [1, 1]} : vector<2048x768xbf16> to vector<2048x64xbf16>
    %slice3A_71 = vector.extract_strided_slice %get3A_4 {offsets = [0, 192], sizes = [2048, 64], strides = [1, 1]} : vector<2048x768xbf16> to vector<2048x64xbf16>
    %dot_general3A_72 = arith.constant dense<0.000000e+00> : vector<512x2048xf32>
    %dot_general3A_73 = tpu.matmul %get3A_69, %slice3A_70, %dot_general3A_72 {dimension_numbers = #tpu.dot_dimension_numbers<[1], [1], [0], [0], [0, 0, 1, 0], [], []>, transpose_lhs_hint = false} : vector<512x64xbf16>, vector<2048x64xbf16>, vector<512x2048xf32> -> vector<512x2048xf32>
    %reduce_max3A_74 = arith.constant dense<0xFF800000> : vector<512xf32>
    %reduce_max3A_75 = vector.multi_reduction <maximumf>, %dot_general3A_73, %reduce_max3A_74 [1] : vector<512x2048xf32> to vector<512xf32>
    %broadcast_in_dim3A_76 = vector.shape_cast %reduce_max3A_75 : vector<512xf32> to vector<512x1xf32>
    %sub3A_77 = vector.broadcast %broadcast_in_dim3A_76 : vector<512x1xf32> to vector<512x2048xf32>
    %sub3A_78 = arith.subf %dot_general3A_73, %sub3A_77 : vector<512x2048xf32>
    %exp3A_79 = math.exp %sub3A_78 : vector<512x2048xf32>
    %reduce_sum3A_80 = arith.constant dense<0.000000e+00> : vector<512xf32>
    %reduce_sum3A_81 = vector.multi_reduction <add>, %exp3A_79, %reduce_sum3A_80 [1] : vector<512x2048xf32> to vector<512xf32>
    %broadcast_in_dim3A_82 = vector.shape_cast %reduce_sum3A_81 : vector<512xf32> to vector<512x1xf32>
    %div3A_83 = arith.constant 1.000000e+00 : f32
    %div3A_84 = vector.broadcast %div3A_83 : f32 to vector<512x1xf32>
    %div3A_85 = arith.divf %div3A_84, %broadcast_in_dim3A_82 : vector<512x1xf32>
    %mul3A_86 = vector.broadcast %div3A_85 : vector<512x1xf32> to vector<512x2048xf32>
    %mul3A_87 = arith.mulf %exp3A_79, %mul3A_86 : vector<512x2048xf32>
    %convert_element_type3A_88 = arith.truncf %mul3A_87 : vector<512x2048xf32> to vector<512x2048xbf16>
    %dot_general3A_89 = arith.constant dense<0.000000e+00> : vector<512x64xf32>
    %dot_general3A_90 = tpu.matmul %convert_element_type3A_88, %slice3A_71, %dot_general3A_89 {dimension_numbers = #tpu.dot_dimension_numbers<[1], [0], [0], [1], [0, 0, 1, 1], [], []>, transpose_lhs_hint = false} : vector<512x2048xbf16>, vector<2048x64xbf16>, vector<512x64xf32> -> vector<512x64xf32>
    %get3A_91 = arith.constant 0 : index
    %get3A_92 = arith.constant 256 : index
    %get3A_93 = vector.load %arg1[%get3A_91, %get3A_92] : memref<512x768xbf16, #tpu.memory_space<vmem>>, vector<512x64xbf16>
    %slice3A_94 = vector.extract_strided_slice %get3A_1 {offsets = [0, 256], sizes = [2048, 64], strides = [1, 1]} : vector<2048x768xbf16> to vector<2048x64xbf16>
    %slice3A_95 = vector.extract_strided_slice %get3A_4 {offsets = [0, 256], sizes = [2048, 64], strides = [1, 1]} : vector<2048x768xbf16> to vector<2048x64xbf16>
    %dot_general3A_96 = arith.constant dense<0.000000e+00> : vector<512x2048xf32>
    %dot_general3A_97 = tpu.matmul %get3A_93, %slice3A_94, %dot_general3A_96 {dimension_numbers = #tpu.dot_dimension_numbers<[1], [1], [0], [0], [0, 0, 1, 0], [], []>, transpose_lhs_hint = false} : vector<512x64xbf16>, vector<2048x64xbf16>, vector<512x2048xf32> -> vector<512x2048xf32>
    %reduce_max3A_98 = arith.constant dense<0xFF800000> : vector<512xf32>
    %reduce_max3A_99 = vector.multi_reduction <maximumf>, %dot_general3A_97, %reduce_max3A_98 [1] : vector<512x2048xf32> to vector<512xf32>
    %broadcast_in_dim3A_100 = vector.shape_cast %reduce_max3A_99 : vector<512xf32> to vector<512x1xf32>
    %sub3A_101 = vector.broadcast %broadcast_in_dim3A_100 : vector<512x1xf32> to vector<512x2048xf32>
    %sub3A_102 = arith.subf %dot_general3A_97, %sub3A_101 : vector<512x2048xf32>
    %exp3A_103 = math.exp %sub3A_102 : vector<512x2048xf32>
    %reduce_sum3A_104 = arith.constant dense<0.000000e+00> : vector<512xf32>
    %reduce_sum3A_105 = vector.multi_reduction <add>, %exp3A_103, %reduce_sum3A_104 [1] : vector<512x2048xf32> to vector<512xf32>
    %broadcast_in_dim3A_106 = vector.shape_cast %reduce_sum3A_105 : vector<512xf32> to vector<512x1xf32>
    %div3A_107 = arith.constant 1.000000e+00 : f32
    %div3A_108 = vector.broadcast %div3A_107 : f32 to vector<512x1xf32>
    %div3A_109 = arith.divf %div3A_108, %broadcast_in_dim3A_106 : vector<512x1xf32>
    %mul3A_110 = vector.broadcast %div3A_109 : vector<512x1xf32> to vector<512x2048xf32>
    %mul3A_111 = arith.mulf %exp3A_103, %mul3A_110 : vector<512x2048xf32>
    %convert_element_type3A_112 = arith.truncf %mul3A_111 : vector<512x2048xf32> to vector<512x2048xbf16>
    %dot_general3A_113 = arith.constant dense<0.000000e+00> : vector<512x64xf32>
    %dot_general3A_114 = tpu.matmul %convert_element_type3A_112, %slice3A_95, %dot_general3A_113 {dimension_numbers = #tpu.dot_dimension_numbers<[1], [0], [0], [1], [0, 0, 1, 1], [], []>, transpose_lhs_hint = false} : vector<512x2048xbf16>, vector<2048x64xbf16>, vector<512x64xf32> -> vector<512x64xf32>
    %get3A_115 = arith.constant 0 : index
    %get3A_116 = arith.constant 320 : index
    %get3A_117 = vector.load %arg1[%get3A_115, %get3A_116] : memref<512x768xbf16, #tpu.memory_space<vmem>>, vector<512x64xbf16>
    %slice3A_118 = vector.extract_strided_slice %get3A_1 {offsets = [0, 320], sizes = [2048, 64], strides = [1, 1]} : vector<2048x768xbf16> to vector<2048x64xbf16>
    %slice3A_119 = vector.extract_strided_slice %get3A_4 {offsets = [0, 320], sizes = [2048, 64], strides = [1, 1]} : vector<2048x768xbf16> to vector<2048x64xbf16>
    %dot_general3A_120 = arith.constant dense<0.000000e+00> : vector<512x2048xf32>
    %dot_general3A_121 = tpu.matmul %get3A_117, %slice3A_118, %dot_general3A_120 {dimension_numbers = #tpu.dot_dimension_numbers<[1], [1], [0], [0], [0, 0, 1, 0], [], []>, transpose_lhs_hint = false} : vector<512x64xbf16>, vector<2048x64xbf16>, vector<512x2048xf32> -> vector<512x2048xf32>
    %reduce_max3A_122 = arith.constant dense<0xFF800000> : vector<512xf32>
    %reduce_max3A_123 = vector.multi_reduction <maximumf>, %dot_general3A_121, %reduce_max3A_122 [1] : vector<512x2048xf32> to vector<512xf32>
    %broadcast_in_dim3A_124 = vector.shape_cast %reduce_max3A_123 : vector<512xf32> to vector<512x1xf32>
    %sub3A_125 = vector.broadcast %broadcast_in_dim3A_124 : vector<512x1xf32> to vector<512x2048xf32>
    %sub3A_126 = arith.subf %dot_general3A_121, %sub3A_125 : vector<512x2048xf32>
    %exp3A_127 = math.exp %sub3A_126 : vector<512x2048xf32>
    %reduce_sum3A_128 = arith.constant dense<0.000000e+00> : vector<512xf32>
    %reduce_sum3A_129 = vector.multi_reduction <add>, %exp3A_127, %reduce_sum3A_128 [1] : vector<512x2048xf32> to vector<512xf32>
    %broadcast_in_dim3A_130 = vector.shape_cast %reduce_sum3A_129 : vector<512xf32> to vector<512x1xf32>
    %div3A_131 = arith.constant 1.000000e+00 : f32
    %div3A_132 = vector.broadcast %div3A_131 : f32 to vector<512x1xf32>
    %div3A_133 = arith.divf %div3A_132, %broadcast_in_dim3A_130 : vector<512x1xf32>
    %mul3A_134 = vector.broadcast %div3A_133 : vector<512x1xf32> to vector<512x2048xf32>
    %mul3A_135 = arith.mulf %exp3A_127, %mul3A_134 : vector<512x2048xf32>
    %convert_element_type3A_136 = arith.truncf %mul3A_135 : vector<512x2048xf32> to vector<512x2048xbf16>
    %dot_general3A_137 = arith.constant dense<0.000000e+00> : vector<512x64xf32>
    %dot_general3A_138 = tpu.matmul %convert_element_type3A_136, %slice3A_119, %dot_general3A_137 {dimension_numbers = #tpu.dot_dimension_numbers<[1], [0], [0], [1], [0, 0, 1, 1], [], []>, transpose_lhs_hint = false} : vector<512x2048xbf16>, vector<2048x64xbf16>, vector<512x64xf32> -> vector<512x64xf32>
    %get3A_139 = arith.constant 0 : index
    %get3A_140 = arith.constant 384 : index
    %get3A_141 = vector.load %arg1[%get3A_139, %get3A_140] : memref<512x768xbf16, #tpu.memory_space<vmem>>, vector<512x64xbf16>
    %slice3A_142 = vector.extract_strided_slice %get3A_1 {offsets = [0, 384], sizes = [2048, 64], strides = [1, 1]} : vector<2048x768xbf16> to vector<2048x64xbf16>
    %slice3A_143 = vector.extract_strided_slice %get3A_4 {offsets = [0, 384], sizes = [2048, 64], strides = [1, 1]} : vector<2048x768xbf16> to vector<2048x64xbf16>
    %dot_general3A_144 = arith.constant dense<0.000000e+00> : vector<512x2048xf32>
    %dot_general3A_145 = tpu.matmul %get3A_141, %slice3A_142, %dot_general3A_144 {dimension_numbers = #tpu.dot_dimension_numbers<[1], [1], [0], [0], [0, 0, 1, 0], [], []>, transpose_lhs_hint = false} : vector<512x64xbf16>, vector<2048x64xbf16>, vector<512x2048xf32> -> vector<512x2048xf32>
    %reduce_max3A_146 = arith.constant dense<0xFF800000> : vector<512xf32>
    %reduce_max3A_147 = vector.multi_reduction <maximumf>, %dot_general3A_145, %reduce_max3A_146 [1] : vector<512x2048xf32> to vector<512xf32>
    %broadcast_in_dim3A_148 = vector.shape_cast %reduce_max3A_147 : vector<512xf32> to vector<512x1xf32>
    %sub3A_149 = vector.broadcast %broadcast_in_dim3A_148 : vector<512x1xf32> to vector<512x2048xf32>
    %sub3A_150 = arith.subf %dot_general3A_145, %sub3A_149 : vector<512x2048xf32>
    %exp3A_151 = math.exp %sub3A_150 : vector<512x2048xf32>
    %reduce_sum3A_152 = arith.constant dense<0.000000e+00> : vector<512xf32>
    %reduce_sum3A_153 = vector.multi_reduction <add>, %exp3A_151, %reduce_sum3A_152 [1] : vector<512x2048xf32> to vector<512xf32>
    %broadcast_in_dim3A_154 = vector.shape_cast %reduce_sum3A_153 : vector<512xf32> to vector<512x1xf32>
    %div3A_155 = arith.constant 1.000000e+00 : f32
    %div3A_156 = vector.broadcast %div3A_155 : f32 to vector<512x1xf32>
    %div3A_157 = arith.divf %div3A_156, %broadcast_in_dim3A_154 : vector<512x1xf32>
    %mul3A_158 = vector.broadcast %div3A_157 : vector<512x1xf32> to vector<512x2048xf32>
    %mul3A_159 = arith.mulf %exp3A_151, %mul3A_158 : vector<512x2048xf32>
    %convert_element_type3A_160 = arith.truncf %mul3A_159 : vector<512x2048xf32> to vector<512x2048xbf16>
    %dot_general3A_161 = arith.constant dense<0.000000e+00> : vector<512x64xf32>
    %dot_general3A_162 = tpu.matmul %convert_element_type3A_160, %slice3A_143, %dot_general3A_161 {dimension_numbers = #tpu.dot_dimension_numbers<[1], [0], [0], [1], [0, 0, 1, 1], [], []>, transpose_lhs_hint = false} : vector<512x2048xbf16>, vector<2048x64xbf16>, vector<512x64xf32> -> vector<512x64xf32>
    %get3A_163 = arith.constant 0 : index
    %get3A_164 = arith.constant 448 : index
    %get3A_165 = vector.load %arg1[%get3A_163, %get3A_164] : memref<512x768xbf16, #tpu.memory_space<vmem>>, vector<512x64xbf16>
    %slice3A_166 = vector.extract_strided_slice %get3A_1 {offsets = [0, 448], sizes = [2048, 64], strides = [1, 1]} : vector<2048x768xbf16> to vector<2048x64xbf16>
    %slice3A_167 = vector.extract_strided_slice %get3A_4 {offsets = [0, 448], sizes = [2048, 64], strides = [1, 1]} : vector<2048x768xbf16> to vector<2048x64xbf16>
    %dot_general3A_168 = arith.constant dense<0.000000e+00> : vector<512x2048xf32>
    %dot_general3A_169 = tpu.matmul %get3A_165, %slice3A_166, %dot_general3A_168 {dimension_numbers = #tpu.dot_dimension_numbers<[1], [1], [0], [0], [0, 0, 1, 0], [], []>, transpose_lhs_hint = false} : vector<512x64xbf16>, vector<2048x64xbf16>, vector<512x2048xf32> -> vector<512x2048xf32>
    %reduce_max3A_170 = arith.constant dense<0xFF800000> : vector<512xf32>
    %reduce_max3A_171 = vector.multi_reduction <maximumf>, %dot_general3A_169, %reduce_max3A_170 [1] : vector<512x2048xf32> to vector<512xf32>
    %broadcast_in_dim3A_172 = vector.shape_cast %reduce_max3A_171 : vector<512xf32> to vector<512x1xf32>
    %sub3A_173 = vector.broadcast %broadcast_in_dim3A_172 : vector<512x1xf32> to vector<512x2048xf32>
    %sub3A_174 = arith.subf %dot_general3A_169, %sub3A_173 : vector<512x2048xf32>
    %exp3A_175 = math.exp %sub3A_174 : vector<512x2048xf32>
    %reduce_sum3A_176 = arith.constant dense<0.000000e+00> : vector<512xf32>
    %reduce_sum3A_177 = vector.multi_reduction <add>, %exp3A_175, %reduce_sum3A_176 [1] : vector<512x2048xf32> to vector<512xf32>
    %broadcast_in_dim3A_178 = vector.shape_cast %reduce_sum3A_177 : vector<512xf32> to vector<512x1xf32>
    %div3A_179 = arith.constant 1.000000e+00 : f32
    %div3A_180 = vector.broadcast %div3A_179 : f32 to vector<512x1xf32>
    %div3A_181 = arith.divf %div3A_180, %broadcast_in_dim3A_178 : vector<512x1xf32>
    %mul3A_182 = vector.broadcast %div3A_181 : vector<512x1xf32> to vector<512x2048xf32>
    %mul3A_183 = arith.mulf %exp3A_175, %mul3A_182 : vector<512x2048xf32>
    %convert_element_type3A_184 = arith.truncf %mul3A_183 : vector<512x2048xf32> to vector<512x2048xbf16>
    %dot_general3A_185 = arith.constant dense<0.000000e+00> : vector<512x64xf32>
    %dot_general3A_186 = tpu.matmul %convert_element_type3A_184, %slice3A_167, %dot_general3A_185 {dimension_numbers = #tpu.dot_dimension_numbers<[1], [0], [0], [1], [0, 0, 1, 1], [], []>, transpose_lhs_hint = false} : vector<512x2048xbf16>, vector<2048x64xbf16>, vector<512x64xf32> -> vector<512x64xf32>
    %get3A_187 = arith.constant 0 : index
    %get3A_188 = arith.constant 512 : index
    %get3A_189 = vector.load %arg1[%get3A_187, %get3A_188] : memref<512x768xbf16, #tpu.memory_space<vmem>>, vector<512x64xbf16>
    %slice3A_190 = vector.extract_strided_slice %get3A_1 {offsets = [0, 512], sizes = [2048, 64], strides = [1, 1]} : vector<2048x768xbf16> to vector<2048x64xbf16>
    %slice3A_191 = vector.extract_strided_slice %get3A_4 {offsets = [0, 512], sizes = [2048, 64], strides = [1, 1]} : vector<2048x768xbf16> to vector<2048x64xbf16>
    %dot_general3A_192 = arith.constant dense<0.000000e+00> : vector<512x2048xf32>
    %dot_general3A_193 = tpu.matmul %get3A_189, %slice3A_190, %dot_general3A_192 {dimension_numbers = #tpu.dot_dimension_numbers<[1], [1], [0], [0], [0, 0, 1, 0], [], []>, transpose_lhs_hint = false} : vector<512x64xbf16>, vector<2048x64xbf16>, vector<512x2048xf32> -> vector<512x2048xf32>
    %reduce_max3A_194 = arith.constant dense<0xFF800000> : vector<512xf32>
    %reduce_max3A_195 = vector.multi_reduction <maximumf>, %dot_general3A_193, %reduce_max3A_194 [1] : vector<512x2048xf32> to vector<512xf32>
    %broadcast_in_dim3A_196 = vector.shape_cast %reduce_max3A_195 : vector<512xf32> to vector<512x1xf32>
    %sub3A_197 = vector.broadcast %broadcast_in_dim3A_196 : vector<512x1xf32> to vector<512x2048xf32>
    %sub3A_198 = arith.subf %dot_general3A_193, %sub3A_197 : vector<512x2048xf32>
    %exp3A_199 = math.exp %sub3A_198 : vector<512x2048xf32>
    %reduce_sum3A_200 = arith.constant dense<0.000000e+00> : vector<512xf32>
    %reduce_sum3A_201 = vector.multi_reduction <add>, %exp3A_199, %reduce_sum3A_200 [1] : vector<512x2048xf32> to vector<512xf32>
    %broadcast_in_dim3A_202 = vector.shape_cast %reduce_sum3A_201 : vector<512xf32> to vector<512x1xf32>
    %div3A_203 = arith.constant 1.000000e+00 : f32
    %div3A_204 = vector.broadcast %div3A_203 : f32 to vector<512x1xf32>
    %div3A_205 = arith.divf %div3A_204, %broadcast_in_dim3A_202 : vector<512x1xf32>
    %mul3A_206 = vector.broadcast %div3A_205 : vector<512x1xf32> to vector<512x2048xf32>
    %mul3A_207 = arith.mulf %exp3A_199, %mul3A_206 : vector<512x2048xf32>
    %convert_element_type3A_208 = arith.truncf %mul3A_207 : vector<512x2048xf32> to vector<512x2048xbf16>
    %dot_general3A_209 = arith.constant dense<0.000000e+00> : vector<512x64xf32>
    %dot_general3A_210 = tpu.matmul %convert_element_type3A_208, %slice3A_191, %dot_general3A_209 {dimension_numbers = #tpu.dot_dimension_numbers<[1], [0], [0], [1], [0, 0, 1, 1], [], []>, transpose_lhs_hint = false} : vector<512x2048xbf16>, vector<2048x64xbf16>, vector<512x64xf32> -> vector<512x64xf32>
    %get3A_211 = arith.constant 0 : index
    %get3A_212 = arith.constant 576 : index
    %get3A_213 = vector.load %arg1[%get3A_211, %get3A_212] : memref<512x768xbf16, #tpu.memory_space<vmem>>, vector<512x64xbf16>
    %slice3A_214 = vector.extract_strided_slice %get3A_1 {offsets = [0, 576], sizes = [2048, 64], strides = [1, 1]} : vector<2048x768xbf16> to vector<2048x64xbf16>
    %slice3A_215 = vector.extract_strided_slice %get3A_4 {offsets = [0, 576], sizes = [2048, 64], strides = [1, 1]} : vector<2048x768xbf16> to vector<2048x64xbf16>
    %dot_general3A_216 = arith.constant dense<0.000000e+00> : vector<512x2048xf32>
    %dot_general3A_217 = tpu.matmul %get3A_213, %slice3A_214, %dot_general3A_216 {dimension_numbers = #tpu.dot_dimension_numbers<[1], [1], [0], [0], [0, 0, 1, 0], [], []>, transpose_lhs_hint = false} : vector<512x64xbf16>, vector<2048x64xbf16>, vector<512x2048xf32> -> vector<512x2048xf32>
    %reduce_max3A_218 = arith.constant dense<0xFF800000> : vector<512xf32>
    %reduce_max3A_219 = vector.multi_reduction <maximumf>, %dot_general3A_217, %reduce_max3A_218 [1] : vector<512x2048xf32> to vector<512xf32>
    %broadcast_in_dim3A_220 = vector.shape_cast %reduce_max3A_219 : vector<512xf32> to vector<512x1xf32>
    %sub3A_221 = vector.broadcast %broadcast_in_dim3A_220 : vector<512x1xf32> to vector<512x2048xf32>
    %sub3A_222 = arith.subf %dot_general3A_217, %sub3A_221 : vector<512x2048xf32>
    %exp3A_223 = math.exp %sub3A_222 : vector<512x2048xf32>
    %reduce_sum3A_224 = arith.constant dense<0.000000e+00> : vector<512xf32>
    %reduce_sum3A_225 = vector.multi_reduction <add>, %exp3A_223, %reduce_sum3A_224 [1] : vector<512x2048xf32> to vector<512xf32>
    %broadcast_in_dim3A_226 = vector.shape_cast %reduce_sum3A_225 : vector<512xf32> to vector<512x1xf32>
    %div3A_227 = arith.constant 1.000000e+00 : f32
    %div3A_228 = vector.broadcast %div3A_227 : f32 to vector<512x1xf32>
    %div3A_229 = arith.divf %div3A_228, %broadcast_in_dim3A_226 : vector<512x1xf32>
    %mul3A_230 = vector.broadcast %div3A_229 : vector<512x1xf32> to vector<512x2048xf32>
    %mul3A_231 = arith.mulf %exp3A_223, %mul3A_230 : vector<512x2048xf32>
    %convert_element_type3A_232 = arith.truncf %mul3A_231 : vector<512x2048xf32> to vector<512x2048xbf16>
    %dot_general3A_233 = arith.constant dense<0.000000e+00> : vector<512x64xf32>
    %dot_general3A_234 = tpu.matmul %convert_element_type3A_232, %slice3A_215, %dot_general3A_233 {dimension_numbers = #tpu.dot_dimension_numbers<[1], [0], [0], [1], [0, 0, 1, 1], [], []>, transpose_lhs_hint = false} : vector<512x2048xbf16>, vector<2048x64xbf16>, vector<512x64xf32> -> vector<512x64xf32>
    %get3A_235 = arith.constant 0 : index
    %get3A_236 = arith.constant 640 : index
    %get3A_237 = vector.load %arg1[%get3A_235, %get3A_236] : memref<512x768xbf16, #tpu.memory_space<vmem>>, vector<512x64xbf16>
    %slice3A_238 = vector.extract_strided_slice %get3A_1 {offsets = [0, 640], sizes = [2048, 64], strides = [1, 1]} : vector<2048x768xbf16> to vector<2048x64xbf16>
    %slice3A_239 = vector.extract_strided_slice %get3A_4 {offsets = [0, 640], sizes = [2048, 64], strides = [1, 1]} : vector<2048x768xbf16> to vector<2048x64xbf16>
    %dot_general3A_240 = arith.constant dense<0.000000e+00> : vector<512x2048xf32>
    %dot_general3A_241 = tpu.matmul %get3A_237, %slice3A_238, %dot_general3A_240 {dimension_numbers = #tpu.dot_dimension_numbers<[1], [1], [0], [0], [0, 0, 1, 0], [], []>, transpose_lhs_hint = false} : vector<512x64xbf16>, vector<2048x64xbf16>, vector<512x2048xf32> -> vector<512x2048xf32>
    %reduce_max3A_242 = arith.constant dense<0xFF800000> : vector<512xf32>
    %reduce_max3A_243 = vector.multi_reduction <maximumf>, %dot_general3A_241, %reduce_max3A_242 [1] : vector<512x2048xf32> to vector<512xf32>
    %broadcast_in_dim3A_244 = vector.shape_cast %reduce_max3A_243 : vector<512xf32> to vector<512x1xf32>
    %sub3A_245 = vector.broadcast %broadcast_in_dim3A_244 : vector<512x1xf32> to vector<512x2048xf32>
    %sub3A_246 = arith.subf %dot_general3A_241, %sub3A_245 : vector<512x2048xf32>
    %exp3A_247 = math.exp %sub3A_246 : vector<512x2048xf32>
    %reduce_sum3A_248 = arith.constant dense<0.000000e+00> : vector<512xf32>
    %reduce_sum3A_249 = vector.multi_reduction <add>, %exp3A_247, %reduce_sum3A_248 [1] : vector<512x2048xf32> to vector<512xf32>
    %broadcast_in_dim3A_250 = vector.shape_cast %reduce_sum3A_249 : vector<512xf32> to vector<512x1xf32>
    %div3A_251 = arith.constant 1.000000e+00 : f32
    %div3A_252 = vector.broadcast %div3A_251 : f32 to vector<512x1xf32>
    %div3A_253 = arith.divf %div3A_252, %broadcast_in_dim3A_250 : vector<512x1xf32>
    %mul3A_254 = vector.broadcast %div3A_253 : vector<512x1xf32> to vector<512x2048xf32>
    %mul3A_255 = arith.mulf %exp3A_247, %mul3A_254 : vector<512x2048xf32>
    %convert_element_type3A_256 = arith.truncf %mul3A_255 : vector<512x2048xf32> to vector<512x2048xbf16>
    %dot_general3A_257 = arith.constant dense<0.000000e+00> : vector<512x64xf32>
    %dot_general3A_258 = tpu.matmul %convert_element_type3A_256, %slice3A_239, %dot_general3A_257 {dimension_numbers = #tpu.dot_dimension_numbers<[1], [0], [0], [1], [0, 0, 1, 1], [], []>, transpose_lhs_hint = false} : vector<512x2048xbf16>, vector<2048x64xbf16>, vector<512x64xf32> -> vector<512x64xf32>
    %get3A_259 = arith.constant 0 : index
    %get3A_260 = arith.constant 704 : index
    %get3A_261 = vector.load %arg1[%get3A_259, %get3A_260] : memref<512x768xbf16, #tpu.memory_space<vmem>>, vector<512x64xbf16>
    %slice3A_262 = vector.extract_strided_slice %get3A_1 {offsets = [0, 704], sizes = [2048, 64], strides = [1, 1]} : vector<2048x768xbf16> to vector<2048x64xbf16>
    %slice3A_263 = vector.extract_strided_slice %get3A_4 {offsets = [0, 704], sizes = [2048, 64], strides = [1, 1]} : vector<2048x768xbf16> to vector<2048x64xbf16>
    %dot_general3A_264 = arith.constant dense<0.000000e+00> : vector<512x2048xf32>
    %dot_general3A_265 = tpu.matmul %get3A_261, %slice3A_262, %dot_general3A_264 {dimension_numbers = #tpu.dot_dimension_numbers<[1], [1], [0], [0], [0, 0, 1, 0], [], []>, transpose_lhs_hint = false} : vector<512x64xbf16>, vector<2048x64xbf16>, vector<512x2048xf32> -> vector<512x2048xf32>
    %reduce_max3A_266 = arith.constant dense<0xFF800000> : vector<512xf32>
    %reduce_max3A_267 = vector.multi_reduction <maximumf>, %dot_general3A_265, %reduce_max3A_266 [1] : vector<512x2048xf32> to vector<512xf32>
    %broadcast_in_dim3A_268 = vector.shape_cast %reduce_max3A_267 : vector<512xf32> to vector<512x1xf32>
    %sub3A_269 = vector.broadcast %broadcast_in_dim3A_268 : vector<512x1xf32> to vector<512x2048xf32>
    %sub3A_270 = arith.subf %dot_general3A_265, %sub3A_269 : vector<512x2048xf32>
    %exp3A_271 = math.exp %sub3A_270 : vector<512x2048xf32>
    %reduce_sum3A_272 = arith.constant dense<0.000000e+00> : vector<512xf32>
    %reduce_sum3A_273 = vector.multi_reduction <add>, %exp3A_271, %reduce_sum3A_272 [1] : vector<512x2048xf32> to vector<512xf32>
    %broadcast_in_dim3A_274 = vector.shape_cast %reduce_sum3A_273 : vector<512xf32> to vector<512x1xf32>
    %div3A_275 = arith.constant 1.000000e+00 : f32
    %div3A_276 = vector.broadcast %div3A_275 : f32 to vector<512x1xf32>
    %div3A_277 = arith.divf %div3A_276, %broadcast_in_dim3A_274 : vector<512x1xf32>
    %mul3A_278 = vector.broadcast %div3A_277 : vector<512x1xf32> to vector<512x2048xf32>
    %mul3A_279 = arith.mulf %exp3A_271, %mul3A_278 : vector<512x2048xf32>
    %convert_element_type3A_280 = arith.truncf %mul3A_279 : vector<512x2048xf32> to vector<512x2048xbf16>
    %dot_general3A_281 = arith.constant dense<0.000000e+00> : vector<512x64xf32>
    %dot_general3A_282 = tpu.matmul %convert_element_type3A_280, %slice3A_263, %dot_general3A_281 {dimension_numbers = #tpu.dot_dimension_numbers<[1], [0], [0], [1], [0, 0, 1, 1], [], []>, transpose_lhs_hint = false} : vector<512x2048xbf16>, vector<2048x64xbf16>, vector<512x64xf32> -> vector<512x64xf32>
    %concatenate3A = tpu.concatenate %dot_general3A_18, %dot_general3A_42, %dot_general3A_66, %dot_general3A_90, %dot_general3A_114, %dot_general3A_138, %dot_general3A_162, %dot_general3A_186, %dot_general3A_210, %dot_general3A_234, %dot_general3A_258, %dot_general3A_282 in 1 : vector<512x64xf32>, vector<512x64xf32>, vector<512x64xf32>, vector<512x64xf32>, vector<512x64xf32>, vector<512x64xf32>, vector<512x64xf32>, vector<512x64xf32>, vector<512x64xf32>, vector<512x64xf32>, vector<512x64xf32>, vector<512x64xf32> -> vector<512x768xf32>
    %convert_element_type3A_283 = arith.truncf %concatenate3A : vector<512x768xf32> to vector<512x768xbf16>
    %get3A_284 = arith.constant 0 : index
    %get3A_285 = arith.constant 0 : index
    %get3A_286 = vector.load %arg5[%get3A_284, %get3A_285] : memref<768x768xf32, #tpu.memory_space<vmem>>, vector<768x768xf32>
    %convert_element_type3A_287 = arith.truncf %get3A_286 : vector<768x768xf32> to vector<768x768xbf16>
    %dot_general3A_288 = arith.constant dense<0.000000e+00> : vector<512x768xf32>
    %dot_general3A_289 = tpu.matmul %convert_element_type3A_283, %convert_element_type3A_287, %dot_general3A_288 {dimension_numbers = #tpu.dot_dimension_numbers<[1], [1], [0], [0], [0, 0, 1, 0], [], []>, transpose_lhs_hint = false} : vector<512x768xbf16>, vector<768x768xbf16>, vector<512x768xf32> -> vector<512x768xf32>
    %get3A_290 = arith.constant 0 : index
    %get3A_291 = arith.constant 0 : index
    %get3A_292 = vector.load %arg6[%get3A_290, %get3A_291] : memref<1x768xf32, #tpu.memory_space<vmem>>, vector<1x768xf32>
    %add3A = vector.broadcast %get3A_292 : vector<1x768xf32> to vector<512x768xf32>
    %add3A_293 = arith.addf %dot_general3A_289, %add3A : vector<512x768xf32>
    %get3A_294 = arith.constant 0 : index
    %get3A_295 = arith.constant 0 : index
    %get3A_296 = vector.load %arg4[%get3A_294, %get3A_295] : memref<512x768xf32, #tpu.memory_space<vmem>>, vector<512x768xf32>
    %add3A_297 = arith.addf %get3A_296, %add3A_293 : vector<512x768xf32>
    %get3A_298 = arith.constant 0 : index
    %get3A_299 = arith.constant 0 : index
    %get3A_300 = vector.load %arg7[%get3A_298, %get3A_299] : memref<1x768xf32, #tpu.memory_space<vmem>>, vector<1x768xf32>
    %get3A_301 = arith.constant 0 : index
    %get3A_302 = arith.constant 0 : index
    %get3A_303 = vector.load %arg8[%get3A_301, %get3A_302] : memref<1x768xf32, #tpu.memory_space<vmem>>, vector<1x768xf32>
    %reduce_sum3A_304 = arith.constant dense<0.000000e+00> : vector<512xf32>
    %reduce_sum3A_305 = vector.multi_reduction <add>, %add3A_297, %reduce_sum3A_304 [1] : vector<512x768xf32> to vector<512xf32>
    %broadcast_in_dim3A_306 = vector.shape_cast %reduce_sum3A_305 : vector<512xf32> to vector<512x1xf32>
    %div3A_307 = arith.constant 7.680000e+02 : f32
    %div3A_308 = vector.broadcast %div3A_307 : f32 to vector<512x1xf32>
    %div3A_309 = arith.divf %broadcast_in_dim3A_306, %div3A_308 : vector<512x1xf32>
    %sub3A_310 = vector.broadcast %div3A_309 : vector<512x1xf32> to vector<512x768xf32>
    %sub3A_311 = arith.subf %add3A_297, %sub3A_310 : vector<512x768xf32>
    %integer_pow3A = arith.mulf %sub3A_311, %sub3A_311 : vector<512x768xf32>
    %reduce_sum3A_312 = arith.constant dense<0.000000e+00> : vector<512xf32>
    %reduce_sum3A_313 = vector.multi_reduction <add>, %integer_pow3A, %reduce_sum3A_312 [1] : vector<512x768xf32> to vector<512xf32>
    %broadcast_in_dim3A_314 = vector.shape_cast %reduce_sum3A_313 : vector<512xf32> to vector<512x1xf32>
    %div3A_315 = arith.constant 7.680000e+02 : f32
    %div3A_316 = vector.broadcast %div3A_315 : f32 to vector<512x1xf32>
    %div3A_317 = arith.divf %broadcast_in_dim3A_314, %div3A_316 : vector<512x1xf32>
    %sub3A_318 = vector.broadcast %div3A_309 : vector<512x1xf32> to vector<512x768xf32>
    %sub3A_319 = arith.subf %add3A_297, %sub3A_318 : vector<512x768xf32>
    %add3A_320 = arith.constant 9.99999974E-6 : f32
    %add3A_321 = vector.broadcast %add3A_320 : f32 to vector<512x1xf32>
    %add3A_322 = arith.addf %div3A_317, %add3A_321 : vector<512x1xf32>
    %rsqrt3A = math.rsqrt %add3A_322 : vector<512x1xf32>
    %mul3A_323 = vector.broadcast %rsqrt3A : vector<512x1xf32> to vector<512x768xf32>
    %mul3A_324 = arith.mulf %sub3A_319, %mul3A_323 : vector<512x768xf32>
    %mul3A_325 = vector.broadcast %get3A_300 : vector<1x768xf32> to vector<512x768xf32>
    %mul3A_326 = arith.mulf %mul3A_324, %mul3A_325 : vector<512x768xf32>
    %add3A_327 = vector.broadcast %get3A_303 : vector<1x768xf32> to vector<512x768xf32>
    %add3A_328 = arith.addf %mul3A_326, %add3A_327 : vector<512x768xf32>
    %swap3A = arith.constant 0 : index
    %swap3A_329 = arith.constant 0 : index
    %swap3A_330 = vector.load %arg10[%swap3A, %swap3A_329] : memref<512x768xf32, #tpu.memory_space<vmem>>, vector<512x768xf32>
    tpu.vector_store %arg10[%swap3A, %swap3A_329], %add3A_328 {strides = array<i32>} : memref<512x768xf32, #tpu.memory_space<vmem>>, vector<512x768xf32>,
    %convert_element_type3A_331 = arith.truncf %add3A_328 : vector<512x768xf32> to vector<512x768xbf16>
    %reshape3A = vector.shape_cast %convert_element_type3A_331 : vector<512x768xbf16> to vector<1024x384xbf16>
    %bitcast3A = tpu.bitcast %reshape3A : vector<1024x384xbf16> -> vector<512x384xi32>
    %swap3A_332 = arith.constant 0 : index
    %swap3A_333 = arith.constant 0 : index
    %swap3A_334 = vector.load %arg11[%swap3A_332, %swap3A_333] : memref<512x384xi32, #tpu.memory_space<vmem>>, vector<512x384xi32>
    tpu.vector_store %arg11[%swap3A_332, %swap3A_333], %bitcast3A {strides = array<i32>} : memref<512x384xi32, #tpu.memory_space<vmem>>, vector<512x384xi32>,
    %get3A_335 = arith.constant 0 : index
    %get3A_336 = arith.constant 0 : index
    %get3A_337 = vector.load %arg9[%get3A_335, %get3A_336] : memref<128x768xf32, #tpu.memory_space<vmem>>, vector<128x768xf32>
    %dot_general3A_338 = arith.constant dense<0.000000e+00> : vector<512x128xf32>
    %dot_general3A_339 = tpu.matmul %add3A_328, %get3A_337, %dot_general3A_338 {dimension_numbers = #tpu.dot_dimension_numbers<[1], [1], [0], [0], [0, 0, 1, 0], [], []>, transpose_lhs_hint = false} : vector<512x768xf32>, vector<128x768xf32>, vector<512x128xf32> -> vector<512x128xf32>
    %iota3A = tpu.iota {dimensions = array<i32: 1>} : vector<512x128xi32>
    %lt3A = arith.constant 8 : i32
    %lt3A_340 = vector.broadcast %lt3A : i32 to vector<512x128xi32>
    %lt3A_341 = arith.cmpi slt, %iota3A, %lt3A_340 : vector<512x128xi32>
    %jit3A = arith.constant -1.000000e+30 : f32
    %broadcast_in_dim3A_342 = vector.broadcast %jit3A : f32 to vector<512x128xf32>
    %select_n3A = arith.select %lt3A_341, %dot_general3A_339, %broadcast_in_dim3A_342 : vector<512x128xi1>, vector<512x128xf32>
    %reduce_max3A_343 = arith.constant dense<0xFF800000> : vector<512xf32>
    %reduce_max3A_344 = vector.multi_reduction <maximumf>, %select_n3A, %reduce_max3A_343 [1] : vector<512x128xf32> to vector<512xf32>
    %broadcast_in_dim3A_345 = vector.shape_cast %reduce_max3A_344 : vector<512xf32> to vector<512x1xf32>
    %eq3A = vector.broadcast %broadcast_in_dim3A_345 : vector<512x1xf32> to vector<512x128xf32>
    %eq3A_346 = arith.cmpf oeq, %select_n3A, %eq3A : vector<512x128xf32>
    %jit3A_347 = arith.constant 128 : i32
    %broadcast_in_dim3A_348 = vector.broadcast %jit3A_347 : i32 to vector<512x128xi32>
    %select_n3A_349 = arith.select %eq3A_346, %iota3A, %broadcast_in_dim3A_348 : vector<512x128xi1>, vector<512x128xi32>
    %reduce_min3A = arith.constant dense<2147483647> : vector<512xi32>
    %reduce_min3A_350 = vector.multi_reduction <minsi>, %select_n3A_349, %reduce_min3A [1] : vector<512x128xi32> to vector<512xi32>
    %broadcast_in_dim3A_351 = vector.shape_cast %reduce_min3A_350 : vector<512xi32> to vector<512x1xi32>
    %eq3A_352 = vector.broadcast %broadcast_in_dim3A_351 : vector<512x1xi32> to vector<512x128xi32>
    %eq3A_353 = arith.cmpi eq, %iota3A, %eq3A_352 : vector<512x128xi32>
    %jit3A_354 = arith.constant -1.000000e+30 : f32
    %broadcast_in_dim3A_355 = vector.broadcast %jit3A_354 : f32 to vector<512x128xf32>
    %select_n3A_356 = arith.select %eq3A_353, %broadcast_in_dim3A_355, %select_n3A : vector<512x128xi1>, vector<512x128xf32>
    %reduce_max3A_357 = arith.constant dense<0xFF800000> : vector<512xf32>
    %reduce_max3A_358 = vector.multi_reduction <maximumf>, %select_n3A_356, %reduce_max3A_357 [1] : vector<512x128xf32> to vector<512xf32>
    %broadcast_in_dim3A_359 = vector.shape_cast %reduce_max3A_358 : vector<512xf32> to vector<512x1xf32>
    %eq3A_360 = vector.broadcast %broadcast_in_dim3A_359 : vector<512x1xf32> to vector<512x128xf32>
    %eq3A_361 = arith.cmpf oeq, %select_n3A_356, %eq3A_360 : vector<512x128xf32>
    %jit3A_362 = arith.constant 128 : i32
    %broadcast_in_dim3A_363 = vector.broadcast %jit3A_362 : i32 to vector<512x128xi32>
    %select_n3A_364 = arith.select %eq3A_361, %iota3A, %broadcast_in_dim3A_363 : vector<512x128xi1>, vector<512x128xi32>
    %reduce_min3A_365 = arith.constant dense<2147483647> : vector<512xi32>
    %reduce_min3A_366 = vector.multi_reduction <minsi>, %select_n3A_364, %reduce_min3A_365 [1] : vector<512x128xi32> to vector<512xi32>
    %broadcast_in_dim3A_367 = vector.shape_cast %reduce_min3A_366 : vector<512xi32> to vector<512x1xi32>
    %sub3A_368 = arith.subf %broadcast_in_dim3A_359, %broadcast_in_dim3A_345 : vector<512x1xf32>
    %exp3A_369 = math.exp %sub3A_368 : vector<512x1xf32>
    %add3A_370 = arith.constant 1.000000e+00 : f32
    %add3A_371 = vector.broadcast %add3A_370 : f32 to vector<512x1xf32>
    %add3A_372 = arith.addf %add3A_371, %exp3A_369 : vector<512x1xf32>
    %div3A_373 = arith.constant 1.000000e+00 : f32
    %div3A_374 = vector.broadcast %div3A_373 : f32 to vector<512x1xf32>
    %div3A_375 = arith.divf %div3A_374, %add3A_372 : vector<512x1xf32>
    %swap3A_376 = arith.constant 0 : index
    %swap3A_377 = arith.constant 0 : index
    %swap3A_378 = vector.load %arg12[%swap3A_376, %swap3A_377] : memref<512x1xi32, #tpu.memory_space<vmem>>, vector<512x1xi32>
    tpu.vector_store %arg12[%swap3A_376, %swap3A_377], %broadcast_in_dim3A_351 {strides = array<i32>} : memref<512x1xi32, #tpu.memory_space<vmem>>, vector<512x1xi32>,
    %swap3A_379 = arith.constant 0 : index
    %swap3A_380 = arith.constant 0 : index
    %swap3A_381 = vector.load %arg13[%swap3A_379, %swap3A_380] : memref<512x1xi32, #tpu.memory_space<vmem>>, vector<512x1xi32>
    tpu.vector_store %arg13[%swap3A_379, %swap3A_380], %broadcast_in_dim3A_367 {strides = array<i32>} : memref<512x1xi32, #tpu.memory_space<vmem>>, vector<512x1xi32>,
    %swap3A_382 = arith.constant 0 : index
    %swap3A_383 = arith.constant 0 : index
    %swap3A_384 = vector.load %arg14[%swap3A_382, %swap3A_383] : memref<512x1xf32, #tpu.memory_space<vmem>>, vector<512x1xf32>
    tpu.vector_store %arg14[%swap3A_382, %swap3A_383], %div3A_375 {strides = array<i32>} : memref<512x1xf32, #tpu.memory_space<vmem>>, vector<512x1xf32>,
    %sub3A_385 = arith.constant 1.000000e+00 : f32
    %sub3A_386 = vector.broadcast %sub3A_385 : f32 to vector<512x1xf32>
    %sub3A_387 = arith.subf %sub3A_386, %div3A_375 : vector<512x1xf32>
    %swap3A_388 = arith.constant 0 : index
    %swap3A_389 = arith.constant 0 : index
    %swap3A_390 = vector.load %arg15[%swap3A_388, %swap3A_389] : memref<512x1xf32, #tpu.memory_space<vmem>>, vector<512x1xf32>
    tpu.vector_store %arg15[%swap3A_388, %swap3A_389], %sub3A_387 {strides = array<i32>} : memref<512x1xf32, #tpu.memory_space<vmem>>, vector<512x1xf32>,
    return
  }
  func.func @transform_0(%arg0: i32) -> (i32, i32) {
    %c0_i32 = arith.constant 0 : i32
    %c0_i32_0 = arith.constant 0 : i32
    return %arg0, %c0_i32 : i32, i32
  }
  func.func @transform_1(%arg0: i32) -> (i32, i32) {
    %c0_i32 = arith.constant 0 : i32
    %c0_i32_0 = arith.constant 0 : i32
    %c0_i32_1 = arith.constant 0 : i32
    return %c0_i32, %c0_i32_0 : i32, i32
  }
  func.func @transform_2(%arg0: i32) -> (i32, i32) {
    %c0_i32 = arith.constant 0 : i32
    %c0_i32_0 = arith.constant 0 : i32
    %c0_i32_1 = arith.constant 0 : i32
    return %c0_i32, %c0_i32_0 : i32, i32
  }
  func.func @transform_3(%arg0: i32) -> (i32, i32) {
    %c0_i32 = arith.constant 0 : i32
    %c0_i32_0 = arith.constant 0 : i32
    return %arg0, %c0_i32 : i32, i32
  }
  func.func @transform_4(%arg0: i32) -> (i32, i32) {
    %c0_i32 = arith.constant 0 : i32
    %c0_i32_0 = arith.constant 0 : i32
    %c0_i32_1 = arith.constant 0 : i32
    return %c0_i32, %c0_i32_0 : i32, i32
  }
  func.func @transform_5(%arg0: i32) -> (i32, i32) {
    %c0_i32 = arith.constant 0 : i32
    %c0_i32_0 = arith.constant 0 : i32
    %c0_i32_1 = arith.constant 0 : i32
    return %c0_i32, %c0_i32_0 : i32, i32
  }
  func.func @transform_6(%arg0: i32) -> (i32, i32) {
    %c0_i32 = arith.constant 0 : i32
    %c0_i32_0 = arith.constant 0 : i32
    %c0_i32_1 = arith.constant 0 : i32
    return %c0_i32, %c0_i32_0 : i32, i32
  }
  func.func @transform_7(%arg0: i32) -> (i32, i32) {
    %c0_i32 = arith.constant 0 : i32
    %c0_i32_0 = arith.constant 0 : i32
    %c0_i32_1 = arith.constant 0 : i32
    return %c0_i32, %c0_i32_0 : i32, i32
  }
  func.func @transform_8(%arg0: i32) -> (i32, i32) {
    %c0_i32 = arith.constant 0 : i32
    %c0_i32_0 = arith.constant 0 : i32
    %c0_i32_1 = arith.constant 0 : i32
    return %c0_i32, %c0_i32_0 : i32, i32
  }
  func.func @transform_9(%arg0: i32) -> (i32, i32) {
    %c0_i32 = arith.constant 0 : i32
    %c0_i32_0 = arith.constant 0 : i32
    return %arg0, %c0_i32 : i32, i32
  }
  func.func @transform_10(%arg0: i32) -> (i32, i32) {
    %c0_i32 = arith.constant 0 : i32
    %c0_i32_0 = arith.constant 0 : i32
    return %arg0, %c0_i32 : i32, i32
  }
  func.func @transform_11(%arg0: i32) -> (i32, i32) {
    %c0_i32 = arith.constant 0 : i32
    %c0_i32_0 = arith.constant 0 : i32
    return %arg0, %c0_i32 : i32, i32
  }
  func.func @transform_12(%arg0: i32) -> (i32, i32) {
    %c0_i32 = arith.constant 0 : i32
    %c0_i32_0 = arith.constant 0 : i32
    return %arg0, %c0_i32 : i32, i32
  }
  func.func @transform_13(%arg0: i32) -> (i32, i32) {
    %c0_i32 = arith.constant 0 : i32
    %c0_i32_0 = arith.constant 0 : i32
    return %arg0, %c0_i32 : i32, i32
  }
  func.func @transform_14(%arg0: i32) -> (i32, i32) {
    %c0_i32 = arith.constant 0 : i32
    %c0_i32_0 = arith.constant 0 : i32
    return %arg0, %c0_i32 : i32, i32
  }
}

module attributes {stable_mosaic.version = 14 : i64} {
  func.func @_sortpos_body(%arg0: i32, %arg1: memref<32x128xi32, #tpu.memory_space<vmem>>, %arg2: memref<32x128xi32, #tpu.memory_space<vmem>>, %arg3: memref<1x128xi32, #tpu.memory_space<vmem>>, %arg4: memref<1x128xi32, #tpu.memory_space<vmem>>, %arg5: memref<1x128xi32, #tpu.memory_space<vmem>>) attributes {dimension_semantics = [#tpu.dimension_semantics<arbitrary>], iteration_bounds = array<i64: 1>, scalar_prefetch = 0 : i64, scratch_operands = 0 : i64, tpu.core_type = #tpu.core_type<tc>, window_params = [{pipeline_mode = #tpu.pipeline_mode<synchronous>, transform_indices = @transform_0, window_bounds = array<i64: 32, 128>}, {pipeline_mode = #tpu.pipeline_mode<synchronous>, transform_indices = @transform_1, window_bounds = array<i64: 32, 128>}, {pipeline_mode = #tpu.pipeline_mode<synchronous>, transform_indices = @transform_2, window_bounds = array<i64: 1, 128>}, {pipeline_mode = #tpu.pipeline_mode<synchronous>, transform_indices = @transform_3, window_bounds = array<i64: 1, 128>}, {pipeline_mode = #tpu.pipeline_mode<synchronous>, transform_indices = @transform_4, window_bounds = array<i64: 1, 128>}]} {
    %get3A = arith.constant 0 : index
    %get3A_0 = arith.constant 0 : index
    %get3A_1 = vector.load %arg1[%get3A, %get3A_0] : memref<32x128xi32, #tpu.memory_space<vmem>>, vector<32x128xi32>
    %iota3A = tpu.iota {dimensions = array<i32: 0>} : vector<32x32xi32>
    %iota3A_2 = tpu.iota {dimensions = array<i32: 1>} : vector<32x32xi32>
    %gt3A = arith.cmpi sgt, %iota3A, %iota3A_2 : vector<32x32xi32>
    %convert_element_type3A = arith.extui %gt3A : vector<32x32xi1> to vector<32x32xi32>
    %convert_element_type3A_3 = arith.sitofp %convert_element_type3A : vector<32x32xi32> to vector<32x32xf32>
    %iota3A_4 = tpu.iota {dimensions = array<i32: 0>} : vector<128x128xi32>
    %iota3A_5 = tpu.iota {dimensions = array<i32: 1>} : vector<128x128xi32>
    %le3A = arith.cmpi sle, %iota3A_4, %iota3A_5 : vector<128x128xi32>
    %convert_element_type3A_6 = arith.extui %le3A : vector<128x128xi1> to vector<128x128xi32>
    %convert_element_type3A_7 = arith.sitofp %convert_element_type3A_6 : vector<128x128xi32> to vector<128x128xf32>
    %broadcast_in_dim3A = arith.constant 0.000000e+00 : f32
    %broadcast_in_dim3A_8 = vector.broadcast %broadcast_in_dim3A : f32 to vector<32x128xf32>
    %broadcast_in_dim3A_9 = arith.constant 0.000000e+00 : f32
    %broadcast_in_dim3A_10 = vector.broadcast %broadcast_in_dim3A_9 : f32 to vector<1x1xf32>
    %eq3A = arith.constant 0 : i32
    %eq3A_11 = vector.broadcast %eq3A : i32 to vector<32x128xi32>
    %eq3A_12 = arith.cmpi eq, %get3A_1, %eq3A_11 : vector<32x128xi32>
    %convert_element_type3A_13 = arith.extui %eq3A_12 : vector<32x128xi1> to vector<32x128xi32>
    %convert_element_type3A_14 = arith.sitofp %convert_element_type3A_13 : vector<32x128xi32> to vector<32x128xf32>
    %dot_general3A = arith.constant dense<0.000000e+00> : vector<32x128xf32>
    %dot_general3A_15 = tpu.matmul %convert_element_type3A_14, %convert_element_type3A_7, %dot_general3A {dimension_numbers = #tpu.dot_dimension_numbers<[1], [0], [0], [1], [0, 0, 1, 1], [], []>, transpose_lhs_hint = false} : vector<32x128xf32>, vector<128x128xf32>, vector<32x128xf32> -> vector<32x128xf32>
    %slice3A = vector.extract_strided_slice %dot_general3A_15 {offsets = [0, 127], sizes = [32, 1], strides = [1, 1]} : vector<32x128xf32> to vector<32x1xf32>
    %dot_general3A_16 = arith.constant dense<0.000000e+00> : vector<32x1xf32>
    %dot_general3A_17 = tpu.matmul %convert_element_type3A_3, %slice3A, %dot_general3A_16 {dimension_numbers = #tpu.dot_dimension_numbers<[1], [0], [0], [1], [0, 0, 1, 1], [], []>, transpose_lhs_hint = false} : vector<32x32xf32>, vector<32x1xf32>, vector<32x1xf32> -> vector<32x1xf32>
    %add3A = vector.broadcast %dot_general3A_17 : vector<32x1xf32> to vector<32x128xf32>
    %add3A_18 = arith.addf %add3A, %dot_general3A_15 : vector<32x128xf32>
    %sub3A = arith.subf %add3A_18, %convert_element_type3A_14 : vector<32x128xf32>
    %add3A_19 = vector.broadcast %broadcast_in_dim3A_10 : vector<1x1xf32> to vector<32x128xf32>
    %add3A_20 = arith.addf %add3A_19, %sub3A : vector<32x128xf32>
    %mul3A = arith.mulf %convert_element_type3A_14, %add3A_20 : vector<32x128xf32>
    %add3A_21 = arith.addf %broadcast_in_dim3A_8, %mul3A : vector<32x128xf32>
    %reduce_sum3A = vector.shape_cast %convert_element_type3A_14 : vector<32x128xf32> to vector<1x32x128xf32>
    %reduce_sum3A_22 = arith.constant dense<0.000000e+00> : vector<1xf32>
    %reduce_sum3A_23 = vector.multi_reduction <add>, %reduce_sum3A, %reduce_sum3A_22 [1, 2] : vector<1x32x128xf32> to vector<1xf32>
    %reduce_sum3A_24 = vector.shape_cast %reduce_sum3A_23 : vector<1xf32> to vector<1x1x1xf32>
    %reduce_sum3A_25 = vector.extract %reduce_sum3A_24[0, 0, 0] : f32 from vector<1x1x1xf32>
    %reshape3A = vector.broadcast %reduce_sum3A_25 : f32 to vector<1x1xf32>
    %mul3A_26 = arith.constant 3.906250e-03 : f32
    %mul3A_27 = vector.broadcast %mul3A_26 : f32 to vector<1x1xf32>
    %mul3A_28 = arith.mulf %reshape3A, %mul3A_27 : vector<1x1xf32>
    %ceil3A = math.ceil %mul3A_28 : vector<1x1xf32>
    %mul3A_29 = arith.constant 2.560000e+02 : f32
    %mul3A_30 = vector.broadcast %mul3A_29 : f32 to vector<1x1xf32>
    %mul3A_31 = arith.mulf %ceil3A, %mul3A_30 : vector<1x1xf32>
    %add3A_32 = arith.addf %broadcast_in_dim3A_10, %mul3A_31 : vector<1x1xf32>
    %eq3A_33 = arith.constant 1 : i32
    %eq3A_34 = vector.broadcast %eq3A_33 : i32 to vector<32x128xi32>
    %eq3A_35 = arith.cmpi eq, %get3A_1, %eq3A_34 : vector<32x128xi32>
    %convert_element_type3A_36 = arith.extui %eq3A_35 : vector<32x128xi1> to vector<32x128xi32>
    %convert_element_type3A_37 = arith.sitofp %convert_element_type3A_36 : vector<32x128xi32> to vector<32x128xf32>
    %dot_general3A_38 = arith.constant dense<0.000000e+00> : vector<32x128xf32>
    %dot_general3A_39 = tpu.matmul %convert_element_type3A_37, %convert_element_type3A_7, %dot_general3A_38 {dimension_numbers = #tpu.dot_dimension_numbers<[1], [0], [0], [1], [0, 0, 1, 1], [], []>, transpose_lhs_hint = false} : vector<32x128xf32>, vector<128x128xf32>, vector<32x128xf32> -> vector<32x128xf32>
    %slice3A_40 = vector.extract_strided_slice %dot_general3A_39 {offsets = [0, 127], sizes = [32, 1], strides = [1, 1]} : vector<32x128xf32> to vector<32x1xf32>
    %dot_general3A_41 = arith.constant dense<0.000000e+00> : vector<32x1xf32>
    %dot_general3A_42 = tpu.matmul %convert_element_type3A_3, %slice3A_40, %dot_general3A_41 {dimension_numbers = #tpu.dot_dimension_numbers<[1], [0], [0], [1], [0, 0, 1, 1], [], []>, transpose_lhs_hint = false} : vector<32x32xf32>, vector<32x1xf32>, vector<32x1xf32> -> vector<32x1xf32>
    %add3A_43 = vector.broadcast %dot_general3A_42 : vector<32x1xf32> to vector<32x128xf32>
    %add3A_44 = arith.addf %add3A_43, %dot_general3A_39 : vector<32x128xf32>
    %sub3A_45 = arith.subf %add3A_44, %convert_element_type3A_37 : vector<32x128xf32>
    %add3A_46 = vector.broadcast %add3A_32 : vector<1x1xf32> to vector<32x128xf32>
    %add3A_47 = arith.addf %add3A_46, %sub3A_45 : vector<32x128xf32>
    %mul3A_48 = arith.mulf %convert_element_type3A_37, %add3A_47 : vector<32x128xf32>
    %add3A_49 = arith.addf %add3A_21, %mul3A_48 : vector<32x128xf32>
    %reduce_sum3A_50 = vector.shape_cast %convert_element_type3A_37 : vector<32x128xf32> to vector<1x32x128xf32>
    %reduce_sum3A_51 = arith.constant dense<0.000000e+00> : vector<1xf32>
    %reduce_sum3A_52 = vector.multi_reduction <add>, %reduce_sum3A_50, %reduce_sum3A_51 [1, 2] : vector<1x32x128xf32> to vector<1xf32>
    %reduce_sum3A_53 = vector.shape_cast %reduce_sum3A_52 : vector<1xf32> to vector<1x1x1xf32>
    %reduce_sum3A_54 = vector.extract %reduce_sum3A_53[0, 0, 0] : f32 from vector<1x1x1xf32>
    %reshape3A_55 = vector.broadcast %reduce_sum3A_54 : f32 to vector<1x1xf32>
    %mul3A_56 = arith.constant 3.906250e-03 : f32
    %mul3A_57 = vector.broadcast %mul3A_56 : f32 to vector<1x1xf32>
    %mul3A_58 = arith.mulf %reshape3A_55, %mul3A_57 : vector<1x1xf32>
    %ceil3A_59 = math.ceil %mul3A_58 : vector<1x1xf32>
    %mul3A_60 = arith.constant 2.560000e+02 : f32
    %mul3A_61 = vector.broadcast %mul3A_60 : f32 to vector<1x1xf32>
    %mul3A_62 = arith.mulf %ceil3A_59, %mul3A_61 : vector<1x1xf32>
    %add3A_63 = arith.addf %add3A_32, %mul3A_62 : vector<1x1xf32>
    %eq3A_64 = arith.constant 2 : i32
    %eq3A_65 = vector.broadcast %eq3A_64 : i32 to vector<32x128xi32>
    %eq3A_66 = arith.cmpi eq, %get3A_1, %eq3A_65 : vector<32x128xi32>
    %convert_element_type3A_67 = arith.extui %eq3A_66 : vector<32x128xi1> to vector<32x128xi32>
    %convert_element_type3A_68 = arith.sitofp %convert_element_type3A_67 : vector<32x128xi32> to vector<32x128xf32>
    %dot_general3A_69 = arith.constant dense<0.000000e+00> : vector<32x128xf32>
    %dot_general3A_70 = tpu.matmul %convert_element_type3A_68, %convert_element_type3A_7, %dot_general3A_69 {dimension_numbers = #tpu.dot_dimension_numbers<[1], [0], [0], [1], [0, 0, 1, 1], [], []>, transpose_lhs_hint = false} : vector<32x128xf32>, vector<128x128xf32>, vector<32x128xf32> -> vector<32x128xf32>
    %slice3A_71 = vector.extract_strided_slice %dot_general3A_70 {offsets = [0, 127], sizes = [32, 1], strides = [1, 1]} : vector<32x128xf32> to vector<32x1xf32>
    %dot_general3A_72 = arith.constant dense<0.000000e+00> : vector<32x1xf32>
    %dot_general3A_73 = tpu.matmul %convert_element_type3A_3, %slice3A_71, %dot_general3A_72 {dimension_numbers = #tpu.dot_dimension_numbers<[1], [0], [0], [1], [0, 0, 1, 1], [], []>, transpose_lhs_hint = false} : vector<32x32xf32>, vector<32x1xf32>, vector<32x1xf32> -> vector<32x1xf32>
    %add3A_74 = vector.broadcast %dot_general3A_73 : vector<32x1xf32> to vector<32x128xf32>
    %add3A_75 = arith.addf %add3A_74, %dot_general3A_70 : vector<32x128xf32>
    %sub3A_76 = arith.subf %add3A_75, %convert_element_type3A_68 : vector<32x128xf32>
    %add3A_77 = vector.broadcast %add3A_63 : vector<1x1xf32> to vector<32x128xf32>
    %add3A_78 = arith.addf %add3A_77, %sub3A_76 : vector<32x128xf32>
    %mul3A_79 = arith.mulf %convert_element_type3A_68, %add3A_78 : vector<32x128xf32>
    %add3A_80 = arith.addf %add3A_49, %mul3A_79 : vector<32x128xf32>
    %reduce_sum3A_81 = vector.shape_cast %convert_element_type3A_68 : vector<32x128xf32> to vector<1x32x128xf32>
    %reduce_sum3A_82 = arith.constant dense<0.000000e+00> : vector<1xf32>
    %reduce_sum3A_83 = vector.multi_reduction <add>, %reduce_sum3A_81, %reduce_sum3A_82 [1, 2] : vector<1x32x128xf32> to vector<1xf32>
    %reduce_sum3A_84 = vector.shape_cast %reduce_sum3A_83 : vector<1xf32> to vector<1x1x1xf32>
    %reduce_sum3A_85 = vector.extract %reduce_sum3A_84[0, 0, 0] : f32 from vector<1x1x1xf32>
    %reshape3A_86 = vector.broadcast %reduce_sum3A_85 : f32 to vector<1x1xf32>
    %mul3A_87 = arith.constant 3.906250e-03 : f32
    %mul3A_88 = vector.broadcast %mul3A_87 : f32 to vector<1x1xf32>
    %mul3A_89 = arith.mulf %reshape3A_86, %mul3A_88 : vector<1x1xf32>
    %ceil3A_90 = math.ceil %mul3A_89 : vector<1x1xf32>
    %mul3A_91 = arith.constant 2.560000e+02 : f32
    %mul3A_92 = vector.broadcast %mul3A_91 : f32 to vector<1x1xf32>
    %mul3A_93 = arith.mulf %ceil3A_90, %mul3A_92 : vector<1x1xf32>
    %add3A_94 = arith.addf %add3A_63, %mul3A_93 : vector<1x1xf32>
    %eq3A_95 = arith.constant 3 : i32
    %eq3A_96 = vector.broadcast %eq3A_95 : i32 to vector<32x128xi32>
    %eq3A_97 = arith.cmpi eq, %get3A_1, %eq3A_96 : vector<32x128xi32>
    %convert_element_type3A_98 = arith.extui %eq3A_97 : vector<32x128xi1> to vector<32x128xi32>
    %convert_element_type3A_99 = arith.sitofp %convert_element_type3A_98 : vector<32x128xi32> to vector<32x128xf32>
    %dot_general3A_100 = arith.constant dense<0.000000e+00> : vector<32x128xf32>
    %dot_general3A_101 = tpu.matmul %convert_element_type3A_99, %convert_element_type3A_7, %dot_general3A_100 {dimension_numbers = #tpu.dot_dimension_numbers<[1], [0], [0], [1], [0, 0, 1, 1], [], []>, transpose_lhs_hint = false} : vector<32x128xf32>, vector<128x128xf32>, vector<32x128xf32> -> vector<32x128xf32>
    %slice3A_102 = vector.extract_strided_slice %dot_general3A_101 {offsets = [0, 127], sizes = [32, 1], strides = [1, 1]} : vector<32x128xf32> to vector<32x1xf32>
    %dot_general3A_103 = arith.constant dense<0.000000e+00> : vector<32x1xf32>
    %dot_general3A_104 = tpu.matmul %convert_element_type3A_3, %slice3A_102, %dot_general3A_103 {dimension_numbers = #tpu.dot_dimension_numbers<[1], [0], [0], [1], [0, 0, 1, 1], [], []>, transpose_lhs_hint = false} : vector<32x32xf32>, vector<32x1xf32>, vector<32x1xf32> -> vector<32x1xf32>
    %add3A_105 = vector.broadcast %dot_general3A_104 : vector<32x1xf32> to vector<32x128xf32>
    %add3A_106 = arith.addf %add3A_105, %dot_general3A_101 : vector<32x128xf32>
    %sub3A_107 = arith.subf %add3A_106, %convert_element_type3A_99 : vector<32x128xf32>
    %add3A_108 = vector.broadcast %add3A_94 : vector<1x1xf32> to vector<32x128xf32>
    %add3A_109 = arith.addf %add3A_108, %sub3A_107 : vector<32x128xf32>
    %mul3A_110 = arith.mulf %convert_element_type3A_99, %add3A_109 : vector<32x128xf32>
    %add3A_111 = arith.addf %add3A_80, %mul3A_110 : vector<32x128xf32>
    %reduce_sum3A_112 = vector.shape_cast %convert_element_type3A_99 : vector<32x128xf32> to vector<1x32x128xf32>
    %reduce_sum3A_113 = arith.constant dense<0.000000e+00> : vector<1xf32>
    %reduce_sum3A_114 = vector.multi_reduction <add>, %reduce_sum3A_112, %reduce_sum3A_113 [1, 2] : vector<1x32x128xf32> to vector<1xf32>
    %reduce_sum3A_115 = vector.shape_cast %reduce_sum3A_114 : vector<1xf32> to vector<1x1x1xf32>
    %reduce_sum3A_116 = vector.extract %reduce_sum3A_115[0, 0, 0] : f32 from vector<1x1x1xf32>
    %reshape3A_117 = vector.broadcast %reduce_sum3A_116 : f32 to vector<1x1xf32>
    %mul3A_118 = arith.constant 3.906250e-03 : f32
    %mul3A_119 = vector.broadcast %mul3A_118 : f32 to vector<1x1xf32>
    %mul3A_120 = arith.mulf %reshape3A_117, %mul3A_119 : vector<1x1xf32>
    %ceil3A_121 = math.ceil %mul3A_120 : vector<1x1xf32>
    %mul3A_122 = arith.constant 2.560000e+02 : f32
    %mul3A_123 = vector.broadcast %mul3A_122 : f32 to vector<1x1xf32>
    %mul3A_124 = arith.mulf %ceil3A_121, %mul3A_123 : vector<1x1xf32>
    %add3A_125 = arith.addf %add3A_94, %mul3A_124 : vector<1x1xf32>
    %eq3A_126 = arith.constant 4 : i32
    %eq3A_127 = vector.broadcast %eq3A_126 : i32 to vector<32x128xi32>
    %eq3A_128 = arith.cmpi eq, %get3A_1, %eq3A_127 : vector<32x128xi32>
    %convert_element_type3A_129 = arith.extui %eq3A_128 : vector<32x128xi1> to vector<32x128xi32>
    %convert_element_type3A_130 = arith.sitofp %convert_element_type3A_129 : vector<32x128xi32> to vector<32x128xf32>
    %dot_general3A_131 = arith.constant dense<0.000000e+00> : vector<32x128xf32>
    %dot_general3A_132 = tpu.matmul %convert_element_type3A_130, %convert_element_type3A_7, %dot_general3A_131 {dimension_numbers = #tpu.dot_dimension_numbers<[1], [0], [0], [1], [0, 0, 1, 1], [], []>, transpose_lhs_hint = false} : vector<32x128xf32>, vector<128x128xf32>, vector<32x128xf32> -> vector<32x128xf32>
    %slice3A_133 = vector.extract_strided_slice %dot_general3A_132 {offsets = [0, 127], sizes = [32, 1], strides = [1, 1]} : vector<32x128xf32> to vector<32x1xf32>
    %dot_general3A_134 = arith.constant dense<0.000000e+00> : vector<32x1xf32>
    %dot_general3A_135 = tpu.matmul %convert_element_type3A_3, %slice3A_133, %dot_general3A_134 {dimension_numbers = #tpu.dot_dimension_numbers<[1], [0], [0], [1], [0, 0, 1, 1], [], []>, transpose_lhs_hint = false} : vector<32x32xf32>, vector<32x1xf32>, vector<32x1xf32> -> vector<32x1xf32>
    %add3A_136 = vector.broadcast %dot_general3A_135 : vector<32x1xf32> to vector<32x128xf32>
    %add3A_137 = arith.addf %add3A_136, %dot_general3A_132 : vector<32x128xf32>
    %sub3A_138 = arith.subf %add3A_137, %convert_element_type3A_130 : vector<32x128xf32>
    %add3A_139 = vector.broadcast %add3A_125 : vector<1x1xf32> to vector<32x128xf32>
    %add3A_140 = arith.addf %add3A_139, %sub3A_138 : vector<32x128xf32>
    %mul3A_141 = arith.mulf %convert_element_type3A_130, %add3A_140 : vector<32x128xf32>
    %add3A_142 = arith.addf %add3A_111, %mul3A_141 : vector<32x128xf32>
    %reduce_sum3A_143 = vector.shape_cast %convert_element_type3A_130 : vector<32x128xf32> to vector<1x32x128xf32>
    %reduce_sum3A_144 = arith.constant dense<0.000000e+00> : vector<1xf32>
    %reduce_sum3A_145 = vector.multi_reduction <add>, %reduce_sum3A_143, %reduce_sum3A_144 [1, 2] : vector<1x32x128xf32> to vector<1xf32>
    %reduce_sum3A_146 = vector.shape_cast %reduce_sum3A_145 : vector<1xf32> to vector<1x1x1xf32>
    %reduce_sum3A_147 = vector.extract %reduce_sum3A_146[0, 0, 0] : f32 from vector<1x1x1xf32>
    %reshape3A_148 = vector.broadcast %reduce_sum3A_147 : f32 to vector<1x1xf32>
    %mul3A_149 = arith.constant 3.906250e-03 : f32
    %mul3A_150 = vector.broadcast %mul3A_149 : f32 to vector<1x1xf32>
    %mul3A_151 = arith.mulf %reshape3A_148, %mul3A_150 : vector<1x1xf32>
    %ceil3A_152 = math.ceil %mul3A_151 : vector<1x1xf32>
    %mul3A_153 = arith.constant 2.560000e+02 : f32
    %mul3A_154 = vector.broadcast %mul3A_153 : f32 to vector<1x1xf32>
    %mul3A_155 = arith.mulf %ceil3A_152, %mul3A_154 : vector<1x1xf32>
    %add3A_156 = arith.addf %add3A_125, %mul3A_155 : vector<1x1xf32>
    %eq3A_157 = arith.constant 5 : i32
    %eq3A_158 = vector.broadcast %eq3A_157 : i32 to vector<32x128xi32>
    %eq3A_159 = arith.cmpi eq, %get3A_1, %eq3A_158 : vector<32x128xi32>
    %convert_element_type3A_160 = arith.extui %eq3A_159 : vector<32x128xi1> to vector<32x128xi32>
    %convert_element_type3A_161 = arith.sitofp %convert_element_type3A_160 : vector<32x128xi32> to vector<32x128xf32>
    %dot_general3A_162 = arith.constant dense<0.000000e+00> : vector<32x128xf32>
    %dot_general3A_163 = tpu.matmul %convert_element_type3A_161, %convert_element_type3A_7, %dot_general3A_162 {dimension_numbers = #tpu.dot_dimension_numbers<[1], [0], [0], [1], [0, 0, 1, 1], [], []>, transpose_lhs_hint = false} : vector<32x128xf32>, vector<128x128xf32>, vector<32x128xf32> -> vector<32x128xf32>
    %slice3A_164 = vector.extract_strided_slice %dot_general3A_163 {offsets = [0, 127], sizes = [32, 1], strides = [1, 1]} : vector<32x128xf32> to vector<32x1xf32>
    %dot_general3A_165 = arith.constant dense<0.000000e+00> : vector<32x1xf32>
    %dot_general3A_166 = tpu.matmul %convert_element_type3A_3, %slice3A_164, %dot_general3A_165 {dimension_numbers = #tpu.dot_dimension_numbers<[1], [0], [0], [1], [0, 0, 1, 1], [], []>, transpose_lhs_hint = false} : vector<32x32xf32>, vector<32x1xf32>, vector<32x1xf32> -> vector<32x1xf32>
    %add3A_167 = vector.broadcast %dot_general3A_166 : vector<32x1xf32> to vector<32x128xf32>
    %add3A_168 = arith.addf %add3A_167, %dot_general3A_163 : vector<32x128xf32>
    %sub3A_169 = arith.subf %add3A_168, %convert_element_type3A_161 : vector<32x128xf32>
    %add3A_170 = vector.broadcast %add3A_156 : vector<1x1xf32> to vector<32x128xf32>
    %add3A_171 = arith.addf %add3A_170, %sub3A_169 : vector<32x128xf32>
    %mul3A_172 = arith.mulf %convert_element_type3A_161, %add3A_171 : vector<32x128xf32>
    %add3A_173 = arith.addf %add3A_142, %mul3A_172 : vector<32x128xf32>
    %reduce_sum3A_174 = vector.shape_cast %convert_element_type3A_161 : vector<32x128xf32> to vector<1x32x128xf32>
    %reduce_sum3A_175 = arith.constant dense<0.000000e+00> : vector<1xf32>
    %reduce_sum3A_176 = vector.multi_reduction <add>, %reduce_sum3A_174, %reduce_sum3A_175 [1, 2] : vector<1x32x128xf32> to vector<1xf32>
    %reduce_sum3A_177 = vector.shape_cast %reduce_sum3A_176 : vector<1xf32> to vector<1x1x1xf32>
    %reduce_sum3A_178 = vector.extract %reduce_sum3A_177[0, 0, 0] : f32 from vector<1x1x1xf32>
    %reshape3A_179 = vector.broadcast %reduce_sum3A_178 : f32 to vector<1x1xf32>
    %mul3A_180 = arith.constant 3.906250e-03 : f32
    %mul3A_181 = vector.broadcast %mul3A_180 : f32 to vector<1x1xf32>
    %mul3A_182 = arith.mulf %reshape3A_179, %mul3A_181 : vector<1x1xf32>
    %ceil3A_183 = math.ceil %mul3A_182 : vector<1x1xf32>
    %mul3A_184 = arith.constant 2.560000e+02 : f32
    %mul3A_185 = vector.broadcast %mul3A_184 : f32 to vector<1x1xf32>
    %mul3A_186 = arith.mulf %ceil3A_183, %mul3A_185 : vector<1x1xf32>
    %add3A_187 = arith.addf %add3A_156, %mul3A_186 : vector<1x1xf32>
    %eq3A_188 = arith.constant 6 : i32
    %eq3A_189 = vector.broadcast %eq3A_188 : i32 to vector<32x128xi32>
    %eq3A_190 = arith.cmpi eq, %get3A_1, %eq3A_189 : vector<32x128xi32>
    %convert_element_type3A_191 = arith.extui %eq3A_190 : vector<32x128xi1> to vector<32x128xi32>
    %convert_element_type3A_192 = arith.sitofp %convert_element_type3A_191 : vector<32x128xi32> to vector<32x128xf32>
    %dot_general3A_193 = arith.constant dense<0.000000e+00> : vector<32x128xf32>
    %dot_general3A_194 = tpu.matmul %convert_element_type3A_192, %convert_element_type3A_7, %dot_general3A_193 {dimension_numbers = #tpu.dot_dimension_numbers<[1], [0], [0], [1], [0, 0, 1, 1], [], []>, transpose_lhs_hint = false} : vector<32x128xf32>, vector<128x128xf32>, vector<32x128xf32> -> vector<32x128xf32>
    %slice3A_195 = vector.extract_strided_slice %dot_general3A_194 {offsets = [0, 127], sizes = [32, 1], strides = [1, 1]} : vector<32x128xf32> to vector<32x1xf32>
    %dot_general3A_196 = arith.constant dense<0.000000e+00> : vector<32x1xf32>
    %dot_general3A_197 = tpu.matmul %convert_element_type3A_3, %slice3A_195, %dot_general3A_196 {dimension_numbers = #tpu.dot_dimension_numbers<[1], [0], [0], [1], [0, 0, 1, 1], [], []>, transpose_lhs_hint = false} : vector<32x32xf32>, vector<32x1xf32>, vector<32x1xf32> -> vector<32x1xf32>
    %add3A_198 = vector.broadcast %dot_general3A_197 : vector<32x1xf32> to vector<32x128xf32>
    %add3A_199 = arith.addf %add3A_198, %dot_general3A_194 : vector<32x128xf32>
    %sub3A_200 = arith.subf %add3A_199, %convert_element_type3A_192 : vector<32x128xf32>
    %add3A_201 = vector.broadcast %add3A_187 : vector<1x1xf32> to vector<32x128xf32>
    %add3A_202 = arith.addf %add3A_201, %sub3A_200 : vector<32x128xf32>
    %mul3A_203 = arith.mulf %convert_element_type3A_192, %add3A_202 : vector<32x128xf32>
    %add3A_204 = arith.addf %add3A_173, %mul3A_203 : vector<32x128xf32>
    %reduce_sum3A_205 = vector.shape_cast %convert_element_type3A_192 : vector<32x128xf32> to vector<1x32x128xf32>
    %reduce_sum3A_206 = arith.constant dense<0.000000e+00> : vector<1xf32>
    %reduce_sum3A_207 = vector.multi_reduction <add>, %reduce_sum3A_205, %reduce_sum3A_206 [1, 2] : vector<1x32x128xf32> to vector<1xf32>
    %reduce_sum3A_208 = vector.shape_cast %reduce_sum3A_207 : vector<1xf32> to vector<1x1x1xf32>
    %reduce_sum3A_209 = vector.extract %reduce_sum3A_208[0, 0, 0] : f32 from vector<1x1x1xf32>
    %reshape3A_210 = vector.broadcast %reduce_sum3A_209 : f32 to vector<1x1xf32>
    %mul3A_211 = arith.constant 3.906250e-03 : f32
    %mul3A_212 = vector.broadcast %mul3A_211 : f32 to vector<1x1xf32>
    %mul3A_213 = arith.mulf %reshape3A_210, %mul3A_212 : vector<1x1xf32>
    %ceil3A_214 = math.ceil %mul3A_213 : vector<1x1xf32>
    %mul3A_215 = arith.constant 2.560000e+02 : f32
    %mul3A_216 = vector.broadcast %mul3A_215 : f32 to vector<1x1xf32>
    %mul3A_217 = arith.mulf %ceil3A_214, %mul3A_216 : vector<1x1xf32>
    %add3A_218 = arith.addf %add3A_187, %mul3A_217 : vector<1x1xf32>
    %eq3A_219 = arith.constant 7 : i32
    %eq3A_220 = vector.broadcast %eq3A_219 : i32 to vector<32x128xi32>
    %eq3A_221 = arith.cmpi eq, %get3A_1, %eq3A_220 : vector<32x128xi32>
    %convert_element_type3A_222 = arith.extui %eq3A_221 : vector<32x128xi1> to vector<32x128xi32>
    %convert_element_type3A_223 = arith.sitofp %convert_element_type3A_222 : vector<32x128xi32> to vector<32x128xf32>
    %dot_general3A_224 = arith.constant dense<0.000000e+00> : vector<32x128xf32>
    %dot_general3A_225 = tpu.matmul %convert_element_type3A_223, %convert_element_type3A_7, %dot_general3A_224 {dimension_numbers = #tpu.dot_dimension_numbers<[1], [0], [0], [1], [0, 0, 1, 1], [], []>, transpose_lhs_hint = false} : vector<32x128xf32>, vector<128x128xf32>, vector<32x128xf32> -> vector<32x128xf32>
    %slice3A_226 = vector.extract_strided_slice %dot_general3A_225 {offsets = [0, 127], sizes = [32, 1], strides = [1, 1]} : vector<32x128xf32> to vector<32x1xf32>
    %dot_general3A_227 = arith.constant dense<0.000000e+00> : vector<32x1xf32>
    %dot_general3A_228 = tpu.matmul %convert_element_type3A_3, %slice3A_226, %dot_general3A_227 {dimension_numbers = #tpu.dot_dimension_numbers<[1], [0], [0], [1], [0, 0, 1, 1], [], []>, transpose_lhs_hint = false} : vector<32x32xf32>, vector<32x1xf32>, vector<32x1xf32> -> vector<32x1xf32>
    %add3A_229 = vector.broadcast %dot_general3A_228 : vector<32x1xf32> to vector<32x128xf32>
    %add3A_230 = arith.addf %add3A_229, %dot_general3A_225 : vector<32x128xf32>
    %sub3A_231 = arith.subf %add3A_230, %convert_element_type3A_223 : vector<32x128xf32>
    %add3A_232 = vector.broadcast %add3A_218 : vector<1x1xf32> to vector<32x128xf32>
    %add3A_233 = arith.addf %add3A_232, %sub3A_231 : vector<32x128xf32>
    %mul3A_234 = arith.mulf %convert_element_type3A_223, %add3A_233 : vector<32x128xf32>
    %add3A_235 = arith.addf %add3A_204, %mul3A_234 : vector<32x128xf32>
    %reduce_sum3A_236 = vector.shape_cast %convert_element_type3A_223 : vector<32x128xf32> to vector<1x32x128xf32>
    %reduce_sum3A_237 = arith.constant dense<0.000000e+00> : vector<1xf32>
    %reduce_sum3A_238 = vector.multi_reduction <add>, %reduce_sum3A_236, %reduce_sum3A_237 [1, 2] : vector<1x32x128xf32> to vector<1xf32>
    %reduce_sum3A_239 = vector.shape_cast %reduce_sum3A_238 : vector<1xf32> to vector<1x1x1xf32>
    %reduce_sum3A_240 = vector.extract %reduce_sum3A_239[0, 0, 0] : f32 from vector<1x1x1xf32>
    %reshape3A_241 = vector.broadcast %reduce_sum3A_240 : f32 to vector<1x1xf32>
    %mul3A_242 = arith.constant 3.906250e-03 : f32
    %mul3A_243 = vector.broadcast %mul3A_242 : f32 to vector<1x1xf32>
    %mul3A_244 = arith.mulf %reshape3A_241, %mul3A_243 : vector<1x1xf32>
    %ceil3A_245 = math.ceil %mul3A_244 : vector<1x1xf32>
    %mul3A_246 = arith.constant 2.560000e+02 : f32
    %mul3A_247 = vector.broadcast %mul3A_246 : f32 to vector<1x1xf32>
    %mul3A_248 = arith.mulf %ceil3A_245, %mul3A_247 : vector<1x1xf32>
    %add3A_249 = arith.addf %add3A_218, %mul3A_248 : vector<1x1xf32>
    %convert_element_type3A_250 = arith.fptosi %add3A_235 : vector<32x128xf32> to vector<32x128xi32>
    %swap3A = arith.constant 0 : index
    %swap3A_251 = arith.constant 0 : index
    %swap3A_252 = vector.load %arg2[%swap3A, %swap3A_251] : memref<32x128xi32, #tpu.memory_space<vmem>>, vector<32x128xi32>
    tpu.vector_store %arg2[%swap3A, %swap3A_251], %convert_element_type3A_250 {strides = array<i32>} : memref<32x128xi32, #tpu.memory_space<vmem>>, vector<32x128xi32>,
    %iota3A_253 = tpu.iota {dimensions = array<i32: 1>} : vector<1x128xi32>
    %convert_element_type3A_254 = arith.sitofp %iota3A_253 : vector<1x128xi32> to vector<1x128xf32>
    %mul3A_255 = arith.constant 2.560000e+02 : f32
    %mul3A_256 = vector.broadcast %mul3A_255 : f32 to vector<1x128xf32>
    %mul3A_257 = arith.mulf %convert_element_type3A_254, %mul3A_256 : vector<1x128xf32>
    %broadcast_in_dim3A_258 = arith.constant 0.000000e+00 : f32
    %broadcast_in_dim3A_259 = vector.broadcast %broadcast_in_dim3A_258 : f32 to vector<1x128xf32>
    %ge3A = vector.broadcast %broadcast_in_dim3A_10 : vector<1x1xf32> to vector<1x128xf32>
    %ge3A_260 = arith.cmpf oge, %mul3A_257, %ge3A : vector<1x128xf32>
    %add3A_261 = arith.addf %broadcast_in_dim3A_10, %mul3A_31 : vector<1x1xf32>
    %lt3A = vector.broadcast %add3A_261 : vector<1x1xf32> to vector<1x128xf32>
    %lt3A_262 = arith.cmpf olt, %mul3A_257, %lt3A : vector<1x128xf32>
    %and3A = arith.andi %ge3A_260, %lt3A_262 : vector<1x128xi1>
    %convert_element_type3A_263 = arith.extui %and3A : vector<1x128xi1> to vector<1x128xi32>
    %convert_element_type3A_264 = arith.sitofp %convert_element_type3A_263 : vector<1x128xi32> to vector<1x128xf32>
    %mul3A_265 = arith.constant 0.000000e+00 : f32
    %mul3A_266 = vector.broadcast %mul3A_265 : f32 to vector<1x128xf32>
    %mul3A_267 = arith.mulf %convert_element_type3A_264, %mul3A_266 : vector<1x128xf32>
    %add3A_268 = arith.addf %broadcast_in_dim3A_259, %mul3A_267 : vector<1x128xf32>
    %ge3A_269 = vector.broadcast %add3A_32 : vector<1x1xf32> to vector<1x128xf32>
    %ge3A_270 = arith.cmpf oge, %mul3A_257, %ge3A_269 : vector<1x128xf32>
    %add3A_271 = arith.addf %add3A_32, %mul3A_62 : vector<1x1xf32>
    %lt3A_272 = vector.broadcast %add3A_271 : vector<1x1xf32> to vector<1x128xf32>
    %lt3A_273 = arith.cmpf olt, %mul3A_257, %lt3A_272 : vector<1x128xf32>
    %and3A_274 = arith.andi %ge3A_270, %lt3A_273 : vector<1x128xi1>
    %convert_element_type3A_275 = arith.extui %and3A_274 : vector<1x128xi1> to vector<1x128xi32>
    %convert_element_type3A_276 = arith.sitofp %convert_element_type3A_275 : vector<1x128xi32> to vector<1x128xf32>
    %mul3A_277 = arith.constant 1.000000e+00 : f32
    %mul3A_278 = vector.broadcast %mul3A_277 : f32 to vector<1x128xf32>
    %mul3A_279 = arith.mulf %convert_element_type3A_276, %mul3A_278 : vector<1x128xf32>
    %add3A_280 = arith.addf %add3A_268, %mul3A_279 : vector<1x128xf32>
    %ge3A_281 = vector.broadcast %add3A_63 : vector<1x1xf32> to vector<1x128xf32>
    %ge3A_282 = arith.cmpf oge, %mul3A_257, %ge3A_281 : vector<1x128xf32>
    %add3A_283 = arith.addf %add3A_63, %mul3A_93 : vector<1x1xf32>
    %lt3A_284 = vector.broadcast %add3A_283 : vector<1x1xf32> to vector<1x128xf32>
    %lt3A_285 = arith.cmpf olt, %mul3A_257, %lt3A_284 : vector<1x128xf32>
    %and3A_286 = arith.andi %ge3A_282, %lt3A_285 : vector<1x128xi1>
    %convert_element_type3A_287 = arith.extui %and3A_286 : vector<1x128xi1> to vector<1x128xi32>
    %convert_element_type3A_288 = arith.sitofp %convert_element_type3A_287 : vector<1x128xi32> to vector<1x128xf32>
    %mul3A_289 = arith.constant 2.000000e+00 : f32
    %mul3A_290 = vector.broadcast %mul3A_289 : f32 to vector<1x128xf32>
    %mul3A_291 = arith.mulf %convert_element_type3A_288, %mul3A_290 : vector<1x128xf32>
    %add3A_292 = arith.addf %add3A_280, %mul3A_291 : vector<1x128xf32>
    %ge3A_293 = vector.broadcast %add3A_94 : vector<1x1xf32> to vector<1x128xf32>
    %ge3A_294 = arith.cmpf oge, %mul3A_257, %ge3A_293 : vector<1x128xf32>
    %add3A_295 = arith.addf %add3A_94, %mul3A_124 : vector<1x1xf32>
    %lt3A_296 = vector.broadcast %add3A_295 : vector<1x1xf32> to vector<1x128xf32>
    %lt3A_297 = arith.cmpf olt, %mul3A_257, %lt3A_296 : vector<1x128xf32>
    %and3A_298 = arith.andi %ge3A_294, %lt3A_297 : vector<1x128xi1>
    %convert_element_type3A_299 = arith.extui %and3A_298 : vector<1x128xi1> to vector<1x128xi32>
    %convert_element_type3A_300 = arith.sitofp %convert_element_type3A_299 : vector<1x128xi32> to vector<1x128xf32>
    %mul3A_301 = arith.constant 3.000000e+00 : f32
    %mul3A_302 = vector.broadcast %mul3A_301 : f32 to vector<1x128xf32>
    %mul3A_303 = arith.mulf %convert_element_type3A_300, %mul3A_302 : vector<1x128xf32>
    %add3A_304 = arith.addf %add3A_292, %mul3A_303 : vector<1x128xf32>
    %ge3A_305 = vector.broadcast %add3A_125 : vector<1x1xf32> to vector<1x128xf32>
    %ge3A_306 = arith.cmpf oge, %mul3A_257, %ge3A_305 : vector<1x128xf32>
    %add3A_307 = arith.addf %add3A_125, %mul3A_155 : vector<1x1xf32>
    %lt3A_308 = vector.broadcast %add3A_307 : vector<1x1xf32> to vector<1x128xf32>
    %lt3A_309 = arith.cmpf olt, %mul3A_257, %lt3A_308 : vector<1x128xf32>
    %and3A_310 = arith.andi %ge3A_306, %lt3A_309 : vector<1x128xi1>
    %convert_element_type3A_311 = arith.extui %and3A_310 : vector<1x128xi1> to vector<1x128xi32>
    %convert_element_type3A_312 = arith.sitofp %convert_element_type3A_311 : vector<1x128xi32> to vector<1x128xf32>
    %mul3A_313 = arith.constant 4.000000e+00 : f32
    %mul3A_314 = vector.broadcast %mul3A_313 : f32 to vector<1x128xf32>
    %mul3A_315 = arith.mulf %convert_element_type3A_312, %mul3A_314 : vector<1x128xf32>
    %add3A_316 = arith.addf %add3A_304, %mul3A_315 : vector<1x128xf32>
    %ge3A_317 = vector.broadcast %add3A_156 : vector<1x1xf32> to vector<1x128xf32>
    %ge3A_318 = arith.cmpf oge, %mul3A_257, %ge3A_317 : vector<1x128xf32>
    %add3A_319 = arith.addf %add3A_156, %mul3A_186 : vector<1x1xf32>
    %lt3A_320 = vector.broadcast %add3A_319 : vector<1x1xf32> to vector<1x128xf32>
    %lt3A_321 = arith.cmpf olt, %mul3A_257, %lt3A_320 : vector<1x128xf32>
    %and3A_322 = arith.andi %ge3A_318, %lt3A_321 : vector<1x128xi1>
    %convert_element_type3A_323 = arith.extui %and3A_322 : vector<1x128xi1> to vector<1x128xi32>
    %convert_element_type3A_324 = arith.sitofp %convert_element_type3A_323 : vector<1x128xi32> to vector<1x128xf32>
    %mul3A_325 = arith.constant 5.000000e+00 : f32
    %mul3A_326 = vector.broadcast %mul3A_325 : f32 to vector<1x128xf32>
    %mul3A_327 = arith.mulf %convert_element_type3A_324, %mul3A_326 : vector<1x128xf32>
    %add3A_328 = arith.addf %add3A_316, %mul3A_327 : vector<1x128xf32>
    %ge3A_329 = vector.broadcast %add3A_187 : vector<1x1xf32> to vector<1x128xf32>
    %ge3A_330 = arith.cmpf oge, %mul3A_257, %ge3A_329 : vector<1x128xf32>
    %add3A_331 = arith.addf %add3A_187, %mul3A_217 : vector<1x1xf32>
    %lt3A_332 = vector.broadcast %add3A_331 : vector<1x1xf32> to vector<1x128xf32>
    %lt3A_333 = arith.cmpf olt, %mul3A_257, %lt3A_332 : vector<1x128xf32>
    %and3A_334 = arith.andi %ge3A_330, %lt3A_333 : vector<1x128xi1>
    %convert_element_type3A_335 = arith.extui %and3A_334 : vector<1x128xi1> to vector<1x128xi32>
    %convert_element_type3A_336 = arith.sitofp %convert_element_type3A_335 : vector<1x128xi32> to vector<1x128xf32>
    %mul3A_337 = arith.constant 6.000000e+00 : f32
    %mul3A_338 = vector.broadcast %mul3A_337 : f32 to vector<1x128xf32>
    %mul3A_339 = arith.mulf %convert_element_type3A_336, %mul3A_338 : vector<1x128xf32>
    %add3A_340 = arith.addf %add3A_328, %mul3A_339 : vector<1x128xf32>
    %ge3A_341 = vector.broadcast %add3A_218 : vector<1x1xf32> to vector<1x128xf32>
    %ge3A_342 = arith.cmpf oge, %mul3A_257, %ge3A_341 : vector<1x128xf32>
    %add3A_343 = arith.addf %add3A_218, %mul3A_248 : vector<1x1xf32>
    %lt3A_344 = vector.broadcast %add3A_343 : vector<1x1xf32> to vector<1x128xf32>
    %lt3A_345 = arith.cmpf olt, %mul3A_257, %lt3A_344 : vector<1x128xf32>
    %and3A_346 = arith.andi %ge3A_342, %lt3A_345 : vector<1x128xi1>
    %convert_element_type3A_347 = arith.extui %and3A_346 : vector<1x128xi1> to vector<1x128xi32>
    %convert_element_type3A_348 = arith.sitofp %convert_element_type3A_347 : vector<1x128xi32> to vector<1x128xf32>
    %mul3A_349 = arith.constant 7.000000e+00 : f32
    %mul3A_350 = vector.broadcast %mul3A_349 : f32 to vector<1x128xf32>
    %mul3A_351 = arith.mulf %convert_element_type3A_348, %mul3A_350 : vector<1x128xf32>
    %add3A_352 = arith.addf %add3A_340, %mul3A_351 : vector<1x128xf32>
    %lt3A_353 = vector.broadcast %add3A_249 : vector<1x1xf32> to vector<1x128xf32>
    %lt3A_354 = arith.cmpf olt, %mul3A_257, %lt3A_353 : vector<1x128xf32>
    %convert_element_type3A_355 = arith.extui %lt3A_354 : vector<1x128xi1> to vector<1x128xi32>
    %convert_element_type3A_356 = arith.sitofp %convert_element_type3A_355 : vector<1x128xi32> to vector<1x128xf32>
    %mul3A_357 = arith.mulf %add3A_352, %convert_element_type3A_356 : vector<1x128xf32>
    %sub3A_358 = arith.constant 1.000000e+00 : f32
    %sub3A_359 = vector.broadcast %sub3A_358 : f32 to vector<1x128xf32>
    %sub3A_360 = arith.subf %sub3A_359, %convert_element_type3A_356 : vector<1x128xf32>
    %mul3A_361 = arith.constant 7.000000e+00 : f32
    %mul3A_362 = vector.broadcast %mul3A_361 : f32 to vector<1x128xf32>
    %mul3A_363 = arith.mulf %mul3A_362, %sub3A_360 : vector<1x128xf32>
    %add3A_364 = arith.addf %mul3A_357, %mul3A_363 : vector<1x128xf32>
    %convert_element_type3A_365 = arith.fptosi %add3A_364 : vector<1x128xf32> to vector<1x128xi32>
    %swap3A_366 = arith.constant 0 : index
    %swap3A_367 = arith.constant 0 : index
    %swap3A_368 = vector.load %arg3[%swap3A_366, %swap3A_367] : memref<1x128xi32, #tpu.memory_space<vmem>>, vector<1x128xi32>
    tpu.vector_store %arg3[%swap3A_366, %swap3A_367], %convert_element_type3A_365 {strides = array<i32>} : memref<1x128xi32, #tpu.memory_space<vmem>>, vector<1x128xi32>,
    %convert_element_type3A_369 = arith.fptosi %convert_element_type3A_356 : vector<1x128xf32> to vector<1x128xi32>
    %swap3A_370 = arith.constant 0 : index
    %swap3A_371 = arith.constant 0 : index
    %swap3A_372 = vector.load %arg4[%swap3A_370, %swap3A_371] : memref<1x128xi32, #tpu.memory_space<vmem>>, vector<1x128xi32>
    tpu.vector_store %arg4[%swap3A_370, %swap3A_371], %convert_element_type3A_369 {strides = array<i32>} : memref<1x128xi32, #tpu.memory_space<vmem>>, vector<1x128xi32>,
    %iota3A_373 = tpu.iota {dimensions = array<i32: 1>} : vector<1x128xi32>
    %convert_element_type3A_374 = arith.sitofp %iota3A_373 : vector<1x128xi32> to vector<1x128xf32>
    %mul3A_375 = arith.constant 3.906250e-03 : f32
    %mul3A_376 = vector.broadcast %mul3A_375 : f32 to vector<1x1xf32>
    %mul3A_377 = arith.mulf %add3A_249, %mul3A_376 : vector<1x1xf32>
    %mul3A_378 = arith.mulf %convert_element_type3A_374, %convert_element_type3A_356 : vector<1x128xf32>
    %sub3A_379 = arith.constant 1.000000e+00 : f32
    %sub3A_380 = vector.broadcast %sub3A_379 : f32 to vector<1x128xf32>
    %sub3A_381 = arith.subf %sub3A_380, %convert_element_type3A_356 : vector<1x128xf32>
    %mul3A_382 = vector.broadcast %mul3A_377 : vector<1x1xf32> to vector<1x128xf32>
    %mul3A_383 = arith.mulf %mul3A_382, %sub3A_381 : vector<1x128xf32>
    %add3A_384 = arith.addf %mul3A_378, %mul3A_383 : vector<1x128xf32>
    %convert_element_type3A_385 = arith.fptosi %add3A_384 : vector<1x128xf32> to vector<1x128xi32>
    %swap3A_386 = arith.constant 0 : index
    %swap3A_387 = arith.constant 0 : index
    %swap3A_388 = vector.load %arg5[%swap3A_386, %swap3A_387] : memref<1x128xi32, #tpu.memory_space<vmem>>, vector<1x128xi32>
    tpu.vector_store %arg5[%swap3A_386, %swap3A_387], %convert_element_type3A_385 {strides = array<i32>} : memref<1x128xi32, #tpu.memory_space<vmem>>, vector<1x128xi32>,
    return
  }
  func.func @transform_0(%arg0: i32) -> (i32, i32) {
    %c0_i32 = arith.constant 0 : i32
    %c0_i32_0 = arith.constant 0 : i32
    %c0_i32_1 = arith.constant 0 : i32
    return %c0_i32, %c0_i32_0 : i32, i32
  }
  func.func @transform_1(%arg0: i32) -> (i32, i32) {
    %c0_i32 = arith.constant 0 : i32
    %c0_i32_0 = arith.constant 0 : i32
    %c0_i32_1 = arith.constant 0 : i32
    return %c0_i32, %c0_i32_0 : i32, i32
  }
  func.func @transform_2(%arg0: i32) -> (i32, i32) {
    %c0_i32 = arith.constant 0 : i32
    %c0_i32_0 = arith.constant 0 : i32
    %c0_i32_1 = arith.constant 0 : i32
    return %c0_i32, %c0_i32_0 : i32, i32
  }
  func.func @transform_3(%arg0: i32) -> (i32, i32) {
    %c0_i32 = arith.constant 0 : i32
    %c0_i32_0 = arith.constant 0 : i32
    %c0_i32_1 = arith.constant 0 : i32
    return %c0_i32, %c0_i32_0 : i32, i32
  }
  func.func @transform_4(%arg0: i32) -> (i32, i32) {
    %c0_i32 = arith.constant 0 : i32
    %c0_i32_0 = arith.constant 0 : i32
    %c0_i32_1 = arith.constant 0 : i32
    return %c0_i32, %c0_i32_0 : i32, i32
  }
}

module attributes {stable_mosaic.version = 14 : i64} {
  func.func @_expert_body(%arg0: i32, %arg1: memref<128xi32, #tpu.memory_space<smem>>, %arg2: memref<128xi32, #tpu.memory_space<smem>>, %arg3: memref<128xi32, #tpu.memory_space<smem>>, %arg4: memref<256x384xi32, #tpu.memory_space<vmem>>, %arg5: memref<1x1024x768xf32, #tpu.memory_space<vmem>>, %arg6: memref<1x1x1024xf32, #tpu.memory_space<vmem>>, %arg7: memref<1x768x1024xf32, #tpu.memory_space<vmem>>, %arg8: memref<1x1x768xf32, #tpu.memory_space<vmem>>, %arg9: memref<256x384xi32, #tpu.memory_space<vmem>>) attributes {dimension_semantics = [#tpu.dimension_semantics<arbitrary>], iteration_bounds = array<i64: 24>, scalar_prefetch = 3 : i64, scratch_operands = 0 : i64, tpu.core_type = #tpu.core_type<tc>, window_params = [{transform_indices = @transform_0, window_bounds = array<i64: 256, 384>}, {transform_indices = @transform_1, window_bounds = array<i64: 1, 1024, 768>}, {transform_indices = @transform_2, window_bounds = array<i64: 1, 1, 1024>}, {transform_indices = @transform_3, window_bounds = array<i64: 1, 768, 1024>}, {transform_indices = @transform_4, window_bounds = array<i64: 1, 1, 768>}, {transform_indices = @transform_5, window_bounds = array<i64: 256, 384>}]} {
    %get3A = arith.index_cast %arg0 : i32 to index
    %get3A_0 = memref.load %arg2[%get3A] : memref<128xi32, #tpu.memory_space<smem>>
    %ne3A = arith.constant 0 : i32
    %ne3A_1 = arith.cmpi ne, %get3A_0, %ne3A : i32
    %convert_element_type3A = arith.extui %ne3A_1 : i1 to i32
    %cond3A = arith.constant 0 : i32
    %cond3A_2 = arith.cmpi ne, %convert_element_type3A, %cond3A : i32
    scf.if %cond3A_2 {
      %get3A_3 = arith.constant 0 : index
      %get3A_4 = arith.constant 0 : index
      %get3A_5 = vector.load %arg4[%get3A_3, %get3A_4] : memref<256x384xi32, #tpu.memory_space<vmem>>, vector<256x384xi32>
      %bitcast3A = tpu.bitcast %get3A_5 : vector<256x384xi32> -> vector<512x384xbf16>
      %reshape3A = vector.shape_cast %bitcast3A : vector<512x384xbf16> to vector<256x768xbf16>
      %get3A_6 = arith.constant 0 : index
      %get3A_7 = arith.constant 0 : index
      %get3A_8 = arith.constant 0 : index
      %get3A_9 = vector.load %arg5[%get3A_6, %get3A_7, %get3A_8] : memref<1x1024x768xf32, #tpu.memory_space<vmem>>, vector<1x1024x768xf32>
      %get3A_10 = vector.shape_cast %get3A_9 : vector<1x1024x768xf32> to vector<1024x768xf32>
      %convert_element_type3A_11 = arith.truncf %get3A_10 : vector<1024x768xf32> to vector<1024x768xbf16>
      %dot_general3A = arith.constant dense<0.000000e+00> : vector<256x1024xf32>
      %dot_general3A_12 = tpu.matmul %reshape3A, %convert_element_type3A_11, %dot_general3A {dimension_numbers = #tpu.dot_dimension_numbers<[1], [1], [0], [0], [0, 0, 1, 0], [], []>, transpose_lhs_hint = false} : vector<256x768xbf16>, vector<1024x768xbf16>, vector<256x1024xf32> -> vector<256x1024xf32>
      %get3A_13 = arith.constant 0 : index
      %get3A_14 = arith.constant 0 : index
      %get3A_15 = arith.constant 0 : index
      %get3A_16 = vector.load %arg6[%get3A_13, %get3A_14, %get3A_15] : memref<1x1x1024xf32, #tpu.memory_space<vmem>>, vector<1x1x1024xf32>
      %get3A_17 = vector.shape_cast %get3A_16 : vector<1x1x1024xf32> to vector<1x1024xf32>
      %add3A = vector.broadcast %get3A_17 : vector<1x1024xf32> to vector<256x1024xf32>
      %add3A_18 = arith.addf %dot_general3A_12, %add3A : vector<256x1024xf32>
      %mul3A = arith.constant 5.000000e-01 : f32
      %mul3A_19 = vector.broadcast %mul3A : f32 to vector<256x1024xf32>
      %mul3A_20 = arith.mulf %mul3A_19, %add3A_18 : vector<256x1024xf32>
      %mul3A_21 = arith.constant 0.707106769 : f32
      %mul3A_22 = vector.broadcast %mul3A_21 : f32 to vector<256x1024xf32>
      %mul3A_23 = arith.mulf %add3A_18, %mul3A_22 : vector<256x1024xf32>
      %erf3A = math.erf %mul3A_23 : vector<256x1024xf32>
      %add3A_24 = arith.constant 1.000000e+00 : f32
      %add3A_25 = vector.broadcast %add3A_24 : f32 to vector<256x1024xf32>
      %add3A_26 = arith.addf %add3A_25, %erf3A : vector<256x1024xf32>
      %mul3A_27 = arith.mulf %mul3A_20, %add3A_26 : vector<256x1024xf32>
      %convert_element_type3A_28 = arith.truncf %mul3A_27 : vector<256x1024xf32> to vector<256x1024xbf16>
      %get3A_29 = arith.constant 0 : index
      %get3A_30 = arith.constant 0 : index
      %get3A_31 = arith.constant 0 : index
      %get3A_32 = vector.load %arg7[%get3A_29, %get3A_30, %get3A_31] : memref<1x768x1024xf32, #tpu.memory_space<vmem>>, vector<1x768x1024xf32>
      %get3A_33 = vector.shape_cast %get3A_32 : vector<1x768x1024xf32> to vector<768x1024xf32>
      %convert_element_type3A_34 = arith.truncf %get3A_33 : vector<768x1024xf32> to vector<768x1024xbf16>
      %dot_general3A_35 = arith.constant dense<0.000000e+00> : vector<256x768xf32>
      %dot_general3A_36 = tpu.matmul %convert_element_type3A_28, %convert_element_type3A_34, %dot_general3A_35 {dimension_numbers = #tpu.dot_dimension_numbers<[1], [1], [0], [0], [0, 0, 1, 0], [], []>, transpose_lhs_hint = false} : vector<256x1024xbf16>, vector<768x1024xbf16>, vector<256x768xf32> -> vector<256x768xf32>
      %get3A_37 = arith.constant 0 : index
      %get3A_38 = arith.constant 0 : index
      %get3A_39 = arith.constant 0 : index
      %get3A_40 = vector.load %arg8[%get3A_37, %get3A_38, %get3A_39] : memref<1x1x768xf32, #tpu.memory_space<vmem>>, vector<1x1x768xf32>
      %get3A_41 = vector.shape_cast %get3A_40 : vector<1x1x768xf32> to vector<1x768xf32>
      %add3A_42 = vector.broadcast %get3A_41 : vector<1x768xf32> to vector<256x768xf32>
      %add3A_43 = arith.addf %dot_general3A_36, %add3A_42 : vector<256x768xf32>
      %convert_element_type3A_44 = arith.truncf %add3A_43 : vector<256x768xf32> to vector<256x768xbf16>
      %reshape3A_45 = vector.shape_cast %convert_element_type3A_44 : vector<256x768xbf16> to vector<512x384xbf16>
      %bitcast3A_46 = tpu.bitcast %reshape3A_45 : vector<512x384xbf16> -> vector<256x384xi32>
      %swap3A = arith.constant 0 : index
      %swap3A_47 = arith.constant 0 : index
      %swap3A_48 = vector.load %arg9[%swap3A, %swap3A_47] : memref<256x384xi32, #tpu.memory_space<vmem>>, vector<256x384xi32>
      tpu.vector_store %arg9[%swap3A, %swap3A_47], %bitcast3A_46 {strides = array<i32>} : memref<256x384xi32, #tpu.memory_space<vmem>>, vector<256x384xi32>,
    } else {
    }
    return
  }
  func.func @transform_0(%arg0: i32, %arg1: memref<128xi32, #tpu.memory_space<smem>>, %arg2: memref<128xi32, #tpu.memory_space<smem>>, %arg3: memref<128xi32, #tpu.memory_space<smem>>) -> (i32, i32) {
    %get3A = arith.index_cast %arg0 : i32 to index
    %get3A_0 = memref.load %arg3[%get3A] : memref<128xi32, #tpu.memory_space<smem>>
    %c0_i32 = arith.constant 0 : i32
    %c0_i32_1 = arith.constant 0 : i32
    return %get3A_0, %c0_i32 : i32, i32
  }
  func.func @transform_1(%arg0: i32, %arg1: memref<128xi32, #tpu.memory_space<smem>>, %arg2: memref<128xi32, #tpu.memory_space<smem>>, %arg3: memref<128xi32, #tpu.memory_space<smem>>) -> (i32, i32, i32) {
    %get3A = arith.index_cast %arg0 : i32 to index
    %get3A_0 = memref.load %arg1[%get3A] : memref<128xi32, #tpu.memory_space<smem>>
    %c0_i32 = arith.constant 0 : i32
    %c0_i32_1 = arith.constant 0 : i32
    %c0_i32_2 = arith.constant 0 : i32
    return %get3A_0, %c0_i32, %c0_i32_1 : i32, i32, i32
  }
  func.func @transform_2(%arg0: i32, %arg1: memref<128xi32, #tpu.memory_space<smem>>, %arg2: memref<128xi32, #tpu.memory_space<smem>>, %arg3: memref<128xi32, #tpu.memory_space<smem>>) -> (i32, i32, i32) {
    %get3A = arith.index_cast %arg0 : i32 to index
    %get3A_0 = memref.load %arg1[%get3A] : memref<128xi32, #tpu.memory_space<smem>>
    %c0_i32 = arith.constant 0 : i32
    %c0_i32_1 = arith.constant 0 : i32
    %c0_i32_2 = arith.constant 0 : i32
    return %get3A_0, %c0_i32, %c0_i32_1 : i32, i32, i32
  }
  func.func @transform_3(%arg0: i32, %arg1: memref<128xi32, #tpu.memory_space<smem>>, %arg2: memref<128xi32, #tpu.memory_space<smem>>, %arg3: memref<128xi32, #tpu.memory_space<smem>>) -> (i32, i32, i32) {
    %get3A = arith.index_cast %arg0 : i32 to index
    %get3A_0 = memref.load %arg1[%get3A] : memref<128xi32, #tpu.memory_space<smem>>
    %c0_i32 = arith.constant 0 : i32
    %c0_i32_1 = arith.constant 0 : i32
    %c0_i32_2 = arith.constant 0 : i32
    return %get3A_0, %c0_i32, %c0_i32_1 : i32, i32, i32
  }
  func.func @transform_4(%arg0: i32, %arg1: memref<128xi32, #tpu.memory_space<smem>>, %arg2: memref<128xi32, #tpu.memory_space<smem>>, %arg3: memref<128xi32, #tpu.memory_space<smem>>) -> (i32, i32, i32) {
    %get3A = arith.index_cast %arg0 : i32 to index
    %get3A_0 = memref.load %arg1[%get3A] : memref<128xi32, #tpu.memory_space<smem>>
    %c0_i32 = arith.constant 0 : i32
    %c0_i32_1 = arith.constant 0 : i32
    %c0_i32_2 = arith.constant 0 : i32
    return %get3A_0, %c0_i32, %c0_i32_1 : i32, i32, i32
  }
  func.func @transform_5(%arg0: i32, %arg1: memref<128xi32, #tpu.memory_space<smem>>, %arg2: memref<128xi32, #tpu.memory_space<smem>>, %arg3: memref<128xi32, #tpu.memory_space<smem>>) -> (i32, i32) {
    %get3A = arith.index_cast %arg0 : i32 to index
    %get3A_0 = memref.load %arg3[%get3A] : memref<128xi32, #tpu.memory_space<smem>>
    %c0_i32 = arith.constant 0 : i32
    %c0_i32_1 = arith.constant 0 : i32
    return %get3A_0, %c0_i32 : i32, i32
  }
}

module attributes {stable_mosaic.version = 14 : i64} {
  func.func @_combine_body(%arg0: i32, %arg1: memref<512x768xf32, #tpu.memory_space<vmem>>, %arg2: memref<512x768xi32, #tpu.memory_space<vmem>>, %arg3: memref<512x1xf32, #tpu.memory_space<vmem>>, %arg4: memref<512x1xf32, #tpu.memory_space<vmem>>, %arg5: memref<1x768xf32, #tpu.memory_space<vmem>>, %arg6: memref<1x768xf32, #tpu.memory_space<vmem>>, %arg7: memref<512x768xf32, #tpu.memory_space<vmem>>) attributes {dimension_semantics = [#tpu.dimension_semantics<arbitrary>], iteration_bounds = array<i64: 4>, scalar_prefetch = 0 : i64, scratch_operands = 0 : i64, tpu.core_type = #tpu.core_type<tc>, window_params = [{transform_indices = @transform_0, window_bounds = array<i64: 512, 768>}, {transform_indices = @transform_1, window_bounds = array<i64: 512, 768>}, {transform_indices = @transform_2, window_bounds = array<i64: 512, 1>}, {transform_indices = @transform_3, window_bounds = array<i64: 512, 1>}, {pipeline_mode = #tpu.pipeline_mode<synchronous>, transform_indices = @transform_4, window_bounds = array<i64: 1, 768>}, {pipeline_mode = #tpu.pipeline_mode<synchronous>, transform_indices = @transform_5, window_bounds = array<i64: 1, 768>}, {transform_indices = @transform_6, window_bounds = array<i64: 512, 768>}]} {
    %get3A = arith.constant 0 : index
    %get3A_0 = arith.constant 0 : index
    %get3A_1 = vector.load %arg2[%get3A, %get3A_0] : memref<512x768xi32, #tpu.memory_space<vmem>>, vector<512x768xi32>
    %bitcast3A = tpu.bitcast %get3A_1 : vector<512x768xi32> -> vector<1024x768xbf16>
    %slice3A = vector.extract_strided_slice %bitcast3A {offsets = [0, 0], sizes = [1024, 384], strides = [1, 1]} : vector<1024x768xbf16> to vector<1024x384xbf16>
    %reshape3A = vector.shape_cast %slice3A : vector<1024x384xbf16> to vector<512x768xbf16>
    %convert_element_type3A = arith.extf %reshape3A : vector<512x768xbf16> to vector<512x768xf32>
    %slice3A_2 = vector.extract_strided_slice %bitcast3A {offsets = [0, 384], sizes = [1024, 384], strides = [1, 1]} : vector<1024x768xbf16> to vector<1024x384xbf16>
    %reshape3A_3 = vector.shape_cast %slice3A_2 : vector<1024x384xbf16> to vector<512x768xbf16>
    %convert_element_type3A_4 = arith.extf %reshape3A_3 : vector<512x768xbf16> to vector<512x768xf32>
    %get3A_5 = arith.constant 0 : index
    %get3A_6 = arith.constant 0 : index
    %get3A_7 = vector.load %arg3[%get3A_5, %get3A_6] : memref<512x1xf32, #tpu.memory_space<vmem>>, vector<512x1xf32>
    %mul3A = vector.broadcast %get3A_7 : vector<512x1xf32> to vector<512x768xf32>
    %mul3A_8 = arith.mulf %mul3A, %convert_element_type3A : vector<512x768xf32>
    %get3A_9 = arith.constant 0 : index
    %get3A_10 = arith.constant 0 : index
    %get3A_11 = vector.load %arg4[%get3A_9, %get3A_10] : memref<512x1xf32, #tpu.memory_space<vmem>>, vector<512x1xf32>
    %mul3A_12 = vector.broadcast %get3A_11 : vector<512x1xf32> to vector<512x768xf32>
    %mul3A_13 = arith.mulf %mul3A_12, %convert_element_type3A_4 : vector<512x768xf32>
    %add3A = arith.addf %mul3A_8, %mul3A_13 : vector<512x768xf32>
    %get3A_14 = arith.constant 0 : index
    %get3A_15 = arith.constant 0 : index
    %get3A_16 = vector.load %arg1[%get3A_14, %get3A_15] : memref<512x768xf32, #tpu.memory_space<vmem>>, vector<512x768xf32>
    %add3A_17 = arith.addf %get3A_16, %add3A : vector<512x768xf32>
    %get3A_18 = arith.constant 0 : index
    %get3A_19 = arith.constant 0 : index
    %get3A_20 = vector.load %arg5[%get3A_18, %get3A_19] : memref<1x768xf32, #tpu.memory_space<vmem>>, vector<1x768xf32>
    %get3A_21 = arith.constant 0 : index
    %get3A_22 = arith.constant 0 : index
    %get3A_23 = vector.load %arg6[%get3A_21, %get3A_22] : memref<1x768xf32, #tpu.memory_space<vmem>>, vector<1x768xf32>
    %reduce_sum3A = arith.constant dense<0.000000e+00> : vector<512xf32>
    %reduce_sum3A_24 = vector.multi_reduction <add>, %add3A_17, %reduce_sum3A [1] : vector<512x768xf32> to vector<512xf32>
    %broadcast_in_dim3A = vector.shape_cast %reduce_sum3A_24 : vector<512xf32> to vector<512x1xf32>
    %div3A = arith.constant 7.680000e+02 : f32
    %div3A_25 = vector.broadcast %div3A : f32 to vector<512x1xf32>
    %div3A_26 = arith.divf %broadcast_in_dim3A, %div3A_25 : vector<512x1xf32>
    %sub3A = vector.broadcast %div3A_26 : vector<512x1xf32> to vector<512x768xf32>
    %sub3A_27 = arith.subf %add3A_17, %sub3A : vector<512x768xf32>
    %integer_pow3A = arith.mulf %sub3A_27, %sub3A_27 : vector<512x768xf32>
    %reduce_sum3A_28 = arith.constant dense<0.000000e+00> : vector<512xf32>
    %reduce_sum3A_29 = vector.multi_reduction <add>, %integer_pow3A, %reduce_sum3A_28 [1] : vector<512x768xf32> to vector<512xf32>
    %broadcast_in_dim3A_30 = vector.shape_cast %reduce_sum3A_29 : vector<512xf32> to vector<512x1xf32>
    %div3A_31 = arith.constant 7.680000e+02 : f32
    %div3A_32 = vector.broadcast %div3A_31 : f32 to vector<512x1xf32>
    %div3A_33 = arith.divf %broadcast_in_dim3A_30, %div3A_32 : vector<512x1xf32>
    %sub3A_34 = vector.broadcast %div3A_26 : vector<512x1xf32> to vector<512x768xf32>
    %sub3A_35 = arith.subf %add3A_17, %sub3A_34 : vector<512x768xf32>
    %add3A_36 = arith.constant 9.99999974E-6 : f32
    %add3A_37 = vector.broadcast %add3A_36 : f32 to vector<512x1xf32>
    %add3A_38 = arith.addf %div3A_33, %add3A_37 : vector<512x1xf32>
    %rsqrt3A = math.rsqrt %add3A_38 : vector<512x1xf32>
    %mul3A_39 = vector.broadcast %rsqrt3A : vector<512x1xf32> to vector<512x768xf32>
    %mul3A_40 = arith.mulf %sub3A_35, %mul3A_39 : vector<512x768xf32>
    %mul3A_41 = vector.broadcast %get3A_20 : vector<1x768xf32> to vector<512x768xf32>
    %mul3A_42 = arith.mulf %mul3A_40, %mul3A_41 : vector<512x768xf32>
    %add3A_43 = vector.broadcast %get3A_23 : vector<1x768xf32> to vector<512x768xf32>
    %add3A_44 = arith.addf %mul3A_42, %add3A_43 : vector<512x768xf32>
    %swap3A = arith.constant 0 : index
    %swap3A_45 = arith.constant 0 : index
    %swap3A_46 = vector.load %arg7[%swap3A, %swap3A_45] : memref<512x768xf32, #tpu.memory_space<vmem>>, vector<512x768xf32>
    tpu.vector_store %arg7[%swap3A, %swap3A_45], %add3A_44 {strides = array<i32>} : memref<512x768xf32, #tpu.memory_space<vmem>>, vector<512x768xf32>,
    return
  }
  func.func @transform_0(%arg0: i32) -> (i32, i32) {
    %c0_i32 = arith.constant 0 : i32
    %c0_i32_0 = arith.constant 0 : i32
    return %arg0, %c0_i32 : i32, i32
  }
  func.func @transform_1(%arg0: i32) -> (i32, i32) {
    %c0_i32 = arith.constant 0 : i32
    %c0_i32_0 = arith.constant 0 : i32
    return %arg0, %c0_i32 : i32, i32
  }
  func.func @transform_2(%arg0: i32) -> (i32, i32) {
    %c0_i32 = arith.constant 0 : i32
    %c0_i32_0 = arith.constant 0 : i32
    return %arg0, %c0_i32 : i32, i32
  }
  func.func @transform_3(%arg0: i32) -> (i32, i32) {
    %c0_i32 = arith.constant 0 : i32
    %c0_i32_0 = arith.constant 0 : i32
    return %arg0, %c0_i32 : i32, i32
  }
  func.func @transform_4(%arg0: i32) -> (i32, i32) {
    %c0_i32 = arith.constant 0 : i32
    %c0_i32_0 = arith.constant 0 : i32
    %c0_i32_1 = arith.constant 0 : i32
    return %c0_i32, %c0_i32_0 : i32, i32
  }
  func.func @transform_5(%arg0: i32) -> (i32, i32) {
    %c0_i32 = arith.constant 0 : i32
    %c0_i32_0 = arith.constant 0 : i32
    %c0_i32_1 = arith.constant 0 : i32
    return %c0_i32, %c0_i32_0 : i32, i32
  }
  func.func @transform_6(%arg0: i32) -> (i32, i32) {
    %c0_i32 = arith.constant 0 : i32
    %c0_i32_0 = arith.constant 0 : i32
    return %arg0, %c0_i32 : i32, i32
  }
}

</mosaic_0001>

<sc_bundles>
// kernel: kernel.12.cloned.1.call-start
scs
__scs_entry_jumppad:
0x0: {  	(pc) =	sbr.rel $0x88, $3  }
0x1: {  	(tag) =	ssettag $0x0;
	lr =	simm.s32 $0x1  }
0x2: {  	[smem:$0x3F8F] =	sst lr;
	_ =	strace $0xD0000000  }
0x3: {  	_ = 	snop  }
0x4: {  	_ = 	snop  }
0x5: {  	_ = 	snop  }
0x6: {  	_ = 	snop  }
0x7: {  	_ = 	snop  }
__scs_overlays_trampoline_lowered:
0x8: {  	[smem:$0x3F9E] =	sst s0  }
0x9: {  	[smem:$0x3F9F] =	sst s1  }
0xa: {  	[smem:$0x3FA0] =	sst s2  }
0xb: {  	[smem:$0x3FA1] =	sst s3  }
0xc: {  	[smem:$0x3FA2] =	sst s4  }
0xd: {  	[smem:$0x3FA3] =	sst s5  }
0xe: {  	[smem:$0x3FA4] =	sst s6  }
0xf: {  	[smem:$0x3FA5] =	sst s7  }
0x10: {  	[smem:$0x3FA6] =	sst s8  }
0x11: {  	[smem:$0x3FA7] =	sst s9;
	s0 =	simm.s32 @!p0 $0x0  }
0x12: {  	s1 =	sld [smem:$0x3F8D];
	s0 =	simm.s32 @p0 $0x1  }
0x13: {  	[smem:$0x3FA8] =	sst s0;
	s0 =	simm.s32 @!p1 $0x0  }
0x14: {  	s2 =	sld [smem:$0x3F8C];
	s0 =	simm.s32 @p1 $0x1  }
0x15: {  	[smem:$0x3FA9] =	sst s0;
	s0 =	simm.s32 @!p2 $0x0  }
0x16: {  	s3 =	sld [smem:$0x3FDB];
	s0 =	simm.s32 @p2 $0x1  }
0x17: {  	s4 =	simm.s32 $0x1BF5;
	[smem:$0x3FAB] =	sst s0  }
0x18: {  	s0 =	sld [smem:$0x3F8E];
	_ =	swait.ge [sflag:s4], $0x0  }
0x19: {  	s7 =	sld [smem:$0x3F8F]  }
0x1a: {  	s8 =	sadd.s32 $0xFFFFE003, lr  }
0x1b: {  	s9 =	sadd.s32 $0xFFFFFEF7, lr;
	s5 =	simm.s32 $0xFFFFFFFF;
	p2 =	slt.u32 s8, $0xFFFFF086  }
0x1c: {  	p1 =	slt.u32 s9, $0xF7A;
	s5 =	simm.s32 @!p2 $0x0  }
0x1d: {  	s5 =	simm.s32 @p1 $0x1;
	p0 =	seq.s32 s7, s2  }
0x1e: {  	s7 =	smul.u32 @!p0 $0xF7A, s2;
	p2 =	seq.s32 @!p0 s5, $0x0  }
0x1f: {  	s9 =	smul.u32 $0xF7A, s1;
	s8 =	simm.s32 @!p0 $0x1BF5;
	p2 =	por !p2, p0  }
0x20: {  	[sflag:s8] =	ssyncset.s32 @!p0 $0xFFFFF086;
	s6 =	sadd.s32 @!p0 s3, s7;
	s7 =	simm.s32 @!p0 $0x108  }
0x21: {  	s3 =	sadd.s32 s3, s9;
	s6 =	sadd.s32 @!p0 $0x88, s6;
	s7 =	simm.s32 @p2 $0x1082  }
0x22: {  	[simem:s7], [sflag:s8] =	dma.local @!p0 [hbm:s6], $0xF7A  }
0x23: {  	s9 =	sor.u32 $0xD0000000, s2;
	s6 =	simm.s32 $0x108;
	_ =	swait.ge @!p0 [sflag:s8], $0x0  }
0x24: {  	s3 =	sadd.s32 $0x88, s3;
	s6 =	simm.s32 @!p1 $0x1082;
	[sflag:s4] =	ssyncset.s32 $0xFFFFF086  }
0x25: {  	[simem:s6], [sflag:s4] =	dma.local [hbm:s3], $0xF7A  }
0x26: {  	[smem:$0x3F8F] =	sst s1;
	(tag) =	ssettag s2;
	_ =	strace s9  }
0x27: {  	s1 =	sld [smem:$0x3F9F]  }
0x28: {  	s2 =	sld [smem:$0x3FA0]  }
0x29: {  	s4 =	sld [smem:$0x3FA2]  }
0x2a: {  	p0 =	seq.s32 s5, $0x0;
	s5 =	sld [smem:$0x3FA3]  }
0x2b: {  	s6 =	sld [smem:$0x3FA4]  }
0x2c: {  	s7 =	sld [smem:$0x3FA5]  }
0x2d: {  	s3 =	simm.s32 $0x108;
	s8 =	sld [smem:$0x3FA6]  }
0x2e: {  	s3 =	simm.s32 @!p0 $0x1082;
	s9 =	sld [smem:$0x3FA7]  }
0x2f: {  	lr =	sadd.s32 s0, s3;
	s0 =	sld [smem:$0x3F9E]  }
0x30: {  	s3 =	sld [smem:$0x3FA1]  }
0x31: {  	[smem:$0x3FAA] =	sst s10  }
0x32: {  	s10 =	sld [smem:$0x3FA8];
	_ =	sdelay $0x3  }
0x33: {  	p0 =	seq.s32 s10, $0x1;
	s10 =	sld [smem:$0x3FAA];
	_ =	sdelay $0x3  }
0x34: {  	[smem:$0x3FAA] =	sst s10  }
0x35: {  	s10 =	sld [smem:$0x3FA9];
	_ =	sdelay $0x3  }
0x36: {  	p1 =	seq.s32 s10, $0x1;
	s10 =	sld [smem:$0x3FAA];
	_ =	sdelay $0x3  }
0x37: {  	[smem:$0x3FAA] =	sst s10  }
0x38: {  	s10 =	sld [smem:$0x3FAB]  }
0x39: {  	_ = 	snop;
	(pc) =	sbr.ind lr, $3  }
0x3a: {  	_ = 	snop  }
0x3b: {  	_ = 	snop  }
0x3c: {  	p2 =	seq.s32 s10, $0x1;
	s10 =	sld [smem:$0x3FAA]  }
0x3d: {  	_ =	shalt  }
0x3e: {  	_ =	shalt  }
0x3f: {  	_ =	shalt  }
0x40: {  	_ =	shalt  }
0x41: {  	_ =	shalt  }
0x42: {  	_ =	shalt  }
0x43: {  	_ =	shalt  }
0x44: {  	_ =	shalt  }
0x45: {  	_ =	shalt  }
0x46: {  	_ =	shalt  }
0x47: {  	_ =	shalt  }
0x48: {  	_ =	shalt  }
0x49: {  	_ =	shalt  }
0x4a: {  	_ =	shalt  }
0x4b: {  	_ =	shalt  }
0x4c: {  	_ =	shalt  }
0x4d: {  	_ =	shalt  }
0x4e: {  	_ =	shalt  }
0x4f: {  	_ =	shalt  }
0x50: {  	_ =	shalt  }
0x51: {  	_ =	shalt  }
0x52: {  	_ =	shalt  }
0x53: {  	_ =	shalt  }
0x54: {  	_ =	shalt  }
0x55: {  	_ =	shalt  }
0x56: {  	_ =	shalt  }
0x57: {  	_ =	shalt  }
0x58: {  	_ =	shalt  }
0x59: {  	_ =	shalt  }
0x5a: {  	_ =	shalt  }
0x5b: {  	_ =	shalt  }
0x5c: {  	_ =	shalt  }
0x5d: {  	_ =	shalt  }
0x5e: {  	_ =	shalt  }
0x5f: {  	_ =	shalt  }
0x60: {  	_ =	shalt  }
0x61: {  	_ =	shalt  }
0x62: {  	_ =	shalt  }
0x63: {  	_ =	shalt  }
0x64: {  	_ =	shalt  }
0x65: {  	_ =	shalt  }
0x66: {  	_ =	shalt  }
0x67: {  	_ =	shalt  }
0x68: {  	_ =	shalt  }
0x69: {  	_ =	shalt  }
0x6a: {  	_ =	shalt  }
0x6b: {  	_ =	shalt  }
0x6c: {  	_ =	shalt  }
0x6d: {  	_ =	shalt  }
0x6e: {  	_ =	shalt  }
0x6f: {  	_ =	shalt  }
0x70: {  	_ =	shalt  }
0x71: {  	_ =	shalt  }
0x72: {  	_ =	shalt  }
0x73: {  	_ =	shalt  }
0x74: {  	_ =	shalt  }
0x75: {  	_ =	shalt  }
0x76: {  	_ =	shalt  }
0x77: {  	_ =	shalt  }
0x78: {  	_ =	shalt  }
0x79: {  	_ =	shalt  }
0x7a: {  	_ =	shalt  }
0x7b: {  	_ =	shalt  }
0x7c: {  	_ =	shalt  }
0x7d: {  	_ =	shalt  }
0x7e: {  	_ =	shalt  }
0x7f: {  	_ =	shalt  }
0x80: {  	_ =	shalt  }
0x81: {  	_ =	shalt  }
0x82: {  	_ =	shalt  }
0x83: {  	_ =	shalt  }
0x84: {  	_ =	shalt  }
0x85: {  	_ =	shalt  }
0x86: {  	_ =	shalt  }
0x87: {  	_ =	shalt  }
.Lfunc_end0:
.L_simem_size_0:
called_computation.1_lowered:
.L_overlay_start_0:
0x88: {  	s2 =	sld [smem:$0x3FD9]  }
0x89: {  	s3 =	sld [smem:$0x3FFE];
	_ =	sdelay $0x1  }
0x8a: {  	s1 =	srdreg.scid  }
0x8b: {  	s0 =	sand.u32 $0x1, s1  }
0x8c: {  	s17 =	sshll.u32 s0, $0xA;
	s2 =	sadd.s32 s3, s2  }
0x8d: {  	s2 =	sadd.s32 s2, s17  }
0x8e: {  	[smem:$0x3FB6] =	sst s2  }
0x8f: {  	_ = 	snop  }
0x90: {  	s2 =	sld [smem:$0x3FD0];
	(tm) =	ssettm $0x1  }
0x91: {  	s18 =	sld [smem:$0x3FFB];
	_ =	sdelay $0x3  }
0x92: {  	_ =	strace s18  }
0x93: {  	s3 =	sld [smem:$0x3FFC];
	_ =	sdelay $0x3  }
0x94: {  	_ =	strace s3  }
0x95: {  	s3 =	sld [smem:$0x3FFD];
	_ =	sdelay $0x3  }
0x96: {  	_ =	strace s3  }
0x97: {  	_ =	strace $0x8FFFFFFF  }
0x98: {  	s19 =	sld [smem:$0x3FDB];
	_ =	sdelay $0x1  }
0x99: {  	s4 =	simm.s32 $_scs_section_size  }
0x9a: {  	s5 =	simm.s32 $_size__tile_overlayer_lowered;
	s6 =	simm.s32 $_tile_overlayer_lowered  }
0x9b: {  	s22 =	simm.s32 $0x1BFF;
	s21 =	sshll.u32 s6, $0x1;
	s3 =	sadd.s32 s4, s19  }
0x9c: {  	s7 =	simm.s32 $0x0;
	s20 =	sshll.u32 s5, $0x1;
	s5 =	sadd.s32 s21, s3  }
0x9d: {  	[timem:s7], [sflag:s22] =	dma.local [hbm:s5], s20  }
0x9e: {  	_ =	swait.ge [sflag:s22], s20  }
0x9f: {  	s4 =	ssub.s32 $0x0, s20;
	[sflag:s22] =	ssyncset.done $0x0  }
0xa0: {  	[sflag:s22] =	ssyncadd.s32 s4;
	_ =	sdelay $0x1  }
0xa1: {  	s23 =	simm.s32 $0x1B8B  }
0xa2: {  	_ =	swait.ge [sflag:s23], $0x1  }
0xa3: {  	[sflag:s23] =	ssyncset.done $0x0  }
0xa4: {  	s25 =	simm.s32 $0x1B8E;
	s24 =	sld [smem:$0x3FFE];
	[sflag:s23] =	ssyncadd.s32 $0xFFFFFFFF  }
0xa5: {  	s26 =	simm.s32 $execute0_lowered;
	[smem:$0x3FD2] =	sst s25  }
0xa6: {  	s5 =	sshll.u32 s26, $0x1;
	_ =	strace $0x80000049;
	[dreg:$0x1] =	wrdreg $0xFFFFFFFF  }
0xa7: {  	s28 =	simm.s32 $_size_execute0_lowered;
	s3 =	sadd.s32 s3, s5;
	[dreg:$0x0] =	wrdreg $0x0  }
0xa8: {  	s5 =	sshll.u32 s28, $0x1;
	[dreg:$0x2] =	wrdreg s3  }
0xa9: {  	[dreg:$0x3] =	wrdreg s5  }
0xaa: {  	[dreg:$0x4] =	wrdreg $0xC0  }
0xab: {  	_ =	task [dreg:s7], $0x5FFFF  }
0xac: {  	[dreg:$0x1] =	wrdreg $0xFFFFFFFF  }
0xad: {  	[dreg:$0x0] =	wrdreg $0x60  }
0xae: {  	[dreg:$0x2] =	wrdreg s24  }
0xaf: {  	[dreg:$0x3] =	wrdreg s2  }
0xb0: {  	[dreg:$0x4] =	wrdreg $0x9  }
0xb1: {  	_ =	task.clear_ibuf [dreg:s7], $0x5FFFF;
	_ =	strace $0x90000049  }
0xb2: {  	s29 =	simm.s32 $0x9;
	_ =	strace $0x8000004B  }
0xb3: {  	_ =	swait.ge [sflag:s29], $0x1  }
0xb4: {  	[sflag:s29] =	ssyncadd.s32 $0xFFFFFFFF  }
0xb5: {  	_ =	strace $0x9000004B  }
0xb6: {  	_ =	sfence  }
0xb7: {  	s30 =	sld [smem:$0x0];
	_ =	sdelay $0x2  }
0xb8: {  	s31 =	sshll.u32 s1, $0xD;
	s1 =	sshrl.u32 s1, $0x2  }
0xb9: {  	s3 =	sand.u32 $0x4000, s31;
	s1 =	sadd.s32 s1, s30  }
0xba: {  	s0 =	sor.u32 s3, s0;
	s1 =	sshll.u32 s1, $0x11  }
0xbb: {  	s0 =	sor.u32 s1, s0  }
0xbc: {  	s0 =	sadd.s32 $0x8F2B, s0  }
0xbd: {  	[sflag:s0] =	ssyncadd.remote.s32 $0x1  }
0xbe: {  	_ =	sfence.sel $0xFFFF  }
0xbf: {  	[dreg:$0x0] =	wrdreg $0xFFFFFFFF;
	(pc) =	sbr.abs _section_cstart, $3  }
0xc0: {  	[dreg:$0x1] =	wrdreg $0xFFFFFFFF  }
0xc1: {  	_ =	task.clear_ibuf [dreg:s7], $0x2FFFF;
	_ =	strace $0x9FFFFFFF  }
0xc2: {  	(tm) =	ssettm $0x7FFFFFFF  }
0xc3: {  	_ =	shalt  }
tec
execute0_lowered:
.L_overlay_start_1:
0x0: {  	(tag) =	ssettag $0x1  }
0x1: {  	s1 =	srdreg.scid;
	s4 =	rddreg [dreg:$0x0]  }
0x2: {  	s0 =	stileid.u32;
	s3 =	rddreg [dreg:$0x1]  }
0x3: {  	s2 =	simm.s32 $0x0;
	s18 =	simm.s32 $0x880;
	s19 =	simm.s32 $0xC80  }
0x4: {  	s20 =	simm.s32 $0x1480;
	s21 =	simm.s32 $0x1880;
	s23 =	simm.s32 $0x2080  }
0x5: {  	s24 =	simm.s32 $0x2480;
	s25 =	simm.s32 $0x2C80;
	s26 =	simm.s32 $0x3080  }
0x6: {  	s7 =	simm.s32 $0x80;
	s9 =	simm.s32 $0x3C80;
	s10 =	simm.s32 $0x4480  }
0x7: {  	s11 =	simm.s32 $0x4880;
	s12 =	simm.s32 $0x5080;
	[smem:$0x7FF] =	sst s2  }
0x8: {  	s13 =	simm.s32 $0x5480;
	_ =	strace $0x8000004A;
	[dreg:$0x5] =	wrdreg s18  }
0x9: {  	s14 =	simm.s32 $0x5C80;
	s15 =	simm.s32 $0x6080;
	[dreg:$0x6] =	wrdreg s19  }
0xa: {  	s16 =	simm.s32 $0x6880;
	s17 =	simm.s32 $0x6C80;
	[dreg:$0x7] =	wrdreg s20  }
0xb: {  	s28 =	simm.s32 $0xA880;
	s29 =	simm.s32 $0xB080;
	[dreg:$0x8] =	wrdreg s21  }
0xc: {  	s30 =	simm.s32 $0xB480;
	s31 =	simm.s32 $0xBC80;
	[dreg:$0x9] =	wrdreg s23  }
0xd: {  	s1 =	sand.u32 $0x1, s1;
	s5 =	sshll.u32 s0, $0x5;
	[dreg:$0xa] =	wrdreg s24  }
0xe: {  	s6 =	sshll.u32 s1, $0x4;
	s1 =	ssub.s32 $0x2, s1;
	[dreg:$0xb] =	wrdreg s25  }
0xf: {  	[dreg:$0xc] =	wrdreg s26;
	s18 =	simm.s32 $0x7480;
	s19 =	simm.s32 $0x7880  }
0x10: {  	s20 =	simm.s32 $0x8080;
	s21 =	simm.s32 $0x8480;
	s23 =	simm.s32 $0x9080  }
0x11: {  	s24 =	simm.s32 $0x9880;
	s25 =	simm.s32 $0x9C80;
	s5 =	sor.u32 s6, s5  }
0x12: {  	s22 =	sshrl.u32 s1, $0x1;
	s6 =	sadd.s32 s5, s4;
	s5 =	smul.u32 $0x180, s5  }
0x13: {  	s26 =	simm.s32 $0xA480;
	s1 =	ssub.s32 s1, s22;
	s6 =	sadd.s32 $0x33000, s6  }
0x14: {  	v2 =	vlaneseq.u32;
	s22 =	simm.s32 $0x8C80;
	[dreg:$0x3] =	wrdreg s6;
	s3 =	sadd.s32 s3, s5  }
0x15: {  	vm0 =	vmmov $0xffff;
	vm1 =	vmmov $0xff;
	v1 =	vshrl.u32 v2, $0x3;
	s5 =	smax.u32 s1, $0x1;
	s6 =	simm.s32 $0x2;
	s1 =	simm.s32 $0x1  }
0x16: {  	v0 =	vand.u32 $0x7, v2;
	v2 =	vor.u32 $0x8, v2;
	v1 =	vmul.u32 $0x8, v1;
	[dreg:$0x4] =	wrdreg s3;
	s3 =	sadd.s32 $0x33200, s4;
	s4 =	sadd.s32 $0x33300, s4  }
.LBB2_1:
0x17: {  	s0 =	rddreg [dreg:$0x3]  }
0x18: {  	[tilespmem:s2], [sflag:$0x2] =	stream.linear.gather [hbm4b:s0+s2], $0x80, $0x38;
	[tilespmem:$0xC080] =	vst v63  }
0x19: {  	_ =	swait.ge [sflag:s6], $0x80  }
0x1a: {  	[sflag:s6] =	ssyncset.done $0x0  }
0x1b: {  	[sflag:s6] =	ssyncadd.s32 $0xFFFFFF80  }
0x1c: {  	v3 =	vld [tilespmem:$0x0];
	_ =	sdelay $0x4  }
0x1d: {  	v4 =	vshrl.u32 v3, $0x3  }
0x1e: {  	v4 =	vmul.u32 $0x18, v4  }
0x1f: {  	v3 =	vand.u32 $0x7, v3  }
0x20: {  	v3 =	vor.u32 v3, v4  }
0x21: {  	v4 =	vperm.xlane v3, v0;
	_ =	sdelay $0x1  }
0x22: {  	v4 =	vadd.s32 v1, v4;
	_ =	sdelay $0x1  }
0x23: {  	v3 =	vperm.xlane v3, v2;
	_ =	sdelay $0x1  }
0x24: {  	v3 =	vadd.s32 v1, v3  }
0x25: {  	[tilespmem:s7], [sflag:$0x1] =	stream.indirect_vreg.gather [hbm4b:s3+s2], $0x80, v4, vm0, $0xb8;
	[tilespmem:$0xC080] =	vst v63  }
0x26: {  	s0 =	rddreg [dreg:$0x5]  }
0x27: {  	[tilespmem:s0], [sflag:$0x1] =	stream.indirect_vreg.gather [hbm4b:s4+s2], $0x80, v4, vm1, $0xb8;
	[tilespmem:$0xC080] =	vst v63  }
0x28: {  	s8 =	rddreg [dreg:$0x6]  }
0x29: {  	[tilespmem:s8], [sflag:$0x1] =	stream.indirect_vreg.gather [hbm4b:s3+s2], $0x80, v3, vm0, $0xb8;
	[tilespmem:$0xC080] =	vst v63  }
0x2a: {  	s0 =	rddreg [dreg:$0x7]  }
0x2b: {  	[tilespmem:s0], [sflag:$0x1] =	stream.indirect_vreg.gather [hbm4b:s4+s2], $0x80, v3, vm1, $0xb8;
	[tilespmem:$0xC080] =	vst v63  }
0x2c: {  	v3 =	vld [tilespmem:$0x10];
	_ =	sdelay $0x4  }
0x2d: {  	v57 =	vshrl.u32 v3, $0x3  }
0x2e: {  	v4 =	vmul.u32 $0x18, v57  }
0x2f: {  	v3 =	vand.u32 $0x7, v3  }
0x30: {  	v3 =	vor.u32 v3, v4  }
0x31: {  	v4 =	vperm.xlane v3, v0;
	_ =	sdelay $0x1  }
0x32: {  	v4 =	vadd.s32 v1, v4;
	_ =	sdelay $0x1  }
0x33: {  	v3 =	vperm.xlane v3, v2;
	_ =	sdelay $0x1  }
0x34: {  	s0 =	rddreg [dreg:$0x8];
	v3 =	vadd.s32 v1, v3  }
0x35: {  	[tilespmem:s0], [sflag:$0x1] =	stream.indirect_vreg.gather [hbm4b:s3+s2], $0x80, v4, vm0, $0xb8;
	[tilespmem:$0xC080] =	vst v63  }
0x36: {  	s8 =	rddreg [dreg:$0x9]  }
0x37: {  	[tilespmem:s8], [sflag:$0x1] =	stream.indirect_vreg.gather [hbm4b:s4+s2], $0x80, v4, vm1, $0xb8;
	[tilespmem:$0xC080] =	vst v63  }
0x38: {  	s0 =	rddreg [dreg:$0xa]  }
0x39: {  	[tilespmem:s0], [sflag:$0x1] =	stream.indirect_vreg.gather [hbm4b:s3+s2], $0x80, v3, vm0, $0xb8;
	[tilespmem:$0xC080] =	vst v63  }
0x3a: {  	s8 =	rddreg [dreg:$0xb]  }
0x3b: {  	[tilespmem:s8], [sflag:$0x1] =	stream.indirect_vreg.gather [hbm4b:s4+s2], $0x80, v3, vm1, $0xb8;
	[tilespmem:$0xC080] =	vst v63  }
0x3c: {  	v3 =	vld [tilespmem:$0x20];
	_ =	sdelay $0x4  }
0x3d: {  	v58 =	vshrl.u32 v3, $0x3  }
0x3e: {  	v4 =	vmul.u32 $0x18, v58  }
0x3f: {  	v3 =	vand.u32 $0x7, v3  }
0x40: {  	v3 =	vor.u32 v3, v4  }
0x41: {  	v4 =	vperm.xlane v3, v0;
	_ =	sdelay $0x1  }
0x42: {  	v4 =	vadd.s32 v1, v4;
	_ =	sdelay $0x1  }
0x43: {  	v3 =	vperm.xlane v3, v2;
	_ =	sdelay $0x1  }
0x44: {  	s8 =	rddreg [dreg:$0xc];
	v3 =	vadd.s32 v1, v3  }
0x45: {  	[tilespmem:s8], [sflag:$0x1] =	stream.indirect_vreg.gather [hbm4b:s3+s2], $0x80, v4, vm0, $0xb8;
	[tilespmem:$0xC080] =	vst v63  }
0x46: {  	s8 =	simm.s32 $0x3880  }
0x47: {  	[tilespmem:s8], [sflag:$0x1] =	stream.indirect_vreg.gather [hbm4b:s4+s2], $0x80, v4, vm1, $0xb8;
	[tilespmem:$0xC080] =	vst v63  }
0x48: {  	_ = 	snop  }
0x49: {  	[tilespmem:s9], [sflag:$0x1] =	stream.indirect_vreg.gather [hbm4b:s3+s2], $0x80, v3, vm0, $0xb8;
	[tilespmem:$0xC080] =	vst v63  }
0x4a: {  	_ = 	snop  }
0x4b: {  	[tilespmem:s10], [sflag:$0x1] =	stream.indirect_vreg.gather [hbm4b:s4+s2], $0x80, v3, vm1, $0xb8;
	[tilespmem:$0xC080] =	vst v63  }
0x4c: {  	v3 =	vld [tilespmem:$0x30];
	_ =	sdelay $0x4  }
0x4d: {  	v59 =	vshrl.u32 v3, $0x3  }
0x4e: {  	v4 =	vmul.u32 $0x18, v59  }
0x4f: {  	v3 =	vand.u32 $0x7, v3  }
0x50: {  	v3 =	vor.u32 v3, v4  }
0x51: {  	v4 =	vperm.xlane v3, v0;
	_ =	sdelay $0x1  }
0x52: {  	v4 =	vadd.s32 v1, v4;
	_ =	sdelay $0x1  }
0x53: {  	v3 =	vperm.xlane v3, v2;
	_ =	sdelay $0x1  }
0x54: {  	v3 =	vadd.s32 v1, v3  }
0x55: {  	[tilespmem:s11], [sflag:$0x1] =	stream.indirect_vreg.gather [hbm4b:s3+s2], $0x80, v4, vm0, $0xb8;
	[tilespmem:$0xC080] =	vst v63  }
0x56: {  	_ = 	snop  }
0x57: {  	[tilespmem:s12], [sflag:$0x1] =	stream.indirect_vreg.gather [hbm4b:s4+s2], $0x80, v4, vm1, $0xb8;
	[tilespmem:$0xC080] =	vst v63  }
0x58: {  	_ = 	snop  }
0x59: {  	[tilespmem:s13], [sflag:$0x1] =	stream.indirect_vreg.gather [hbm4b:s3+s2], $0x80, v3, vm0, $0xb8;
	[tilespmem:$0xC080] =	vst v63  }
0x5a: {  	_ = 	snop  }
0x5b: {  	[tilespmem:s14], [sflag:$0x1] =	stream.indirect_vreg.gather [hbm4b:s4+s2], $0x80, v3, vm1, $0xb8;
	[tilespmem:$0xC080] =	vst v63  }
0x5c: {  	v3 =	vld [tilespmem:$0x40];
	_ =	sdelay $0x4  }
0x5d: {  	v60 =	vshrl.u32 v3, $0x3  }
0x5e: {  	v4 =	vmul.u32 $0x18, v60  }
0x5f: {  	v3 =	vand.u32 $0x7, v3  }
0x60: {  	v3 =	vor.u32 v3, v4  }
0x61: {  	v4 =	vperm.xlane v3, v0;
	_ =	sdelay $0x1  }
0x62: {  	v4 =	vadd.s32 v1, v4;
	_ =	sdelay $0x1  }
0x63: {  	v3 =	vperm.xlane v3, v2;
	_ =	sdelay $0x1  }
0x64: {  	v3 =	vadd.s32 v1, v3  }
0x65: {  	[tilespmem:s15], [sflag:$0x1] =	stream.indirect_vreg.gather [hbm4b:s3+s2], $0x80, v4, vm0, $0xb8;
	[tilespmem:$0xC080] =	vst v63  }
0x66: {  	_ = 	snop  }
0x67: {  	[tilespmem:s16], [sflag:$0x1] =	stream.indirect_vreg.gather [hbm4b:s4+s2], $0x80, v4, vm1, $0xb8;
	[tilespmem:$0xC080] =	vst v63  }
0x68: {  	_ = 	snop  }
0x69: {  	[tilespmem:s17], [sflag:$0x1] =	stream.indirect_vreg.gather [hbm4b:s3+s2], $0x80, v3, vm0, $0xb8;
	[tilespmem:$0xC080] =	vst v63  }
0x6a: {  	_ = 	snop  }
0x6b: {  	[tilespmem:s18], [sflag:$0x1] =	stream.indirect_vreg.gather [hbm4b:s4+s2], $0x80, v3, vm1, $0xb8;
	[tilespmem:$0xC080] =	vst v63  }
0x6c: {  	v3 =	vld [tilespmem:$0x50];
	_ =	sdelay $0x4  }
0x6d: {  	v61 =	vshrl.u32 v3, $0x3  }
0x6e: {  	v4 =	vmul.u32 $0x18, v61  }
0x6f: {  	v3 =	vand.u32 $0x7, v3  }
0x70: {  	v3 =	vor.u32 v3, v4  }
0x71: {  	v4 =	vperm.xlane v3, v0;
	_ =	sdelay $0x1  }
0x72: {  	v4 =	vadd.s32 v1, v4;
	_ =	sdelay $0x1  }
0x73: {  	v3 =	vperm.xlane v3, v2;
	_ =	sdelay $0x1  }
0x74: {  	v3 =	vadd.s32 v1, v3  }
0x75: {  	[tilespmem:s19], [sflag:$0x1] =	stream.indirect_vreg.gather [hbm4b:s3+s2], $0x80, v4, vm0, $0xb8;
	[tilespmem:$0xC080] =	vst v63  }
0x76: {  	_ = 	snop  }
0x77: {  	[tilespmem:s20], [sflag:$0x1] =	stream.indirect_vreg.gather [hbm4b:s4+s2], $0x80, v4, vm1, $0xb8;
	[tilespmem:$0xC080] =	vst v63  }
0x78: {  	_ = 	snop  }
0x79: {  	[tilespmem:s21], [sflag:$0x1] =	stream.indirect_vreg.gather [hbm4b:s3+s2], $0x80, v3, vm0, $0xb8;
	[tilespmem:$0xC080] =	vst v63  }
0x7a: {  	_ = 	snop  }
0x7b: {  	[tilespmem:s22], [sflag:$0x1] =	stream.indirect_vreg.gather [hbm4b:s4+s2], $0x80, v3, vm1, $0xb8;
	[tilespmem:$0xC080] =	vst v63  }
0x7c: {  	v3 =	vld [tilespmem:$0x60];
	_ =	sdelay $0x4  }
0x7d: {  	v62 =	vshrl.u32 v3, $0x3  }
0x7e: {  	v4 =	vmul.u32 $0x18, v62  }
0x7f: {  	v3 =	vand.u32 $0x7, v3  }
0x80: {  	v3 =	vor.u32 v3, v4  }
0x81: {  	v4 =	vperm.xlane v3, v0;
	_ =	sdelay $0x1  }
0x82: {  	v4 =	vadd.s32 v1, v4;
	_ =	sdelay $0x1  }
0x83: {  	v3 =	vperm.xlane v3, v2;
	_ =	sdelay $0x1  }
0x84: {  	v3 =	vadd.s32 v1, v3  }
0x85: {  	[tilespmem:s23], [sflag:$0x1] =	stream.indirect_vreg.gather [hbm4b:s3+s2], $0x80, v4, vm0, $0xb8;
	[tilespmem:$0xC080] =	vst v63  }
0x86: {  	_ = 	snop  }
0x87: {  	[tilespmem:s24], [sflag:$0x1] =	stream.indirect_vreg.gather [hbm4b:s4+s2], $0x80, v4, vm1, $0xb8;
	[tilespmem:$0xC080] =	vst v63  }
0x88: {  	_ = 	snop  }
0x89: {  	[tilespmem:s25], [sflag:$0x1] =	stream.indirect_vreg.gather [hbm4b:s3+s2], $0x80, v3, vm0, $0xb8;
	[tilespmem:$0xC080] =	vst v63  }
0x8a: {  	_ = 	snop  }
0x8b: {  	[tilespmem:s26], [sflag:$0x1] =	stream.indirect_vreg.gather [hbm4b:s4+s2], $0x80, v3, vm1, $0xb8;
	[tilespmem:$0xC080] =	vst v63  }
0x8c: {  	v3 =	vld [tilespmem:$0x70];
	_ =	sdelay $0x4  }
0x8d: {  	v63 =	vshrl.u32 v3, $0x3  }
0x8e: {  	v4 =	vmul.u32 $0x18, v63  }
0x8f: {  	v3 =	vand.u32 $0x7, v3  }
0x90: {  	v3 =	vor.u32 v3, v4  }
0x91: {  	v4 =	vperm.xlane v3, v0;
	_ =	sdelay $0x1  }
0x92: {  	v4 =	vadd.s32 v1, v4;
	_ =	sdelay $0x1  }
0x93: {  	v3 =	vperm.xlane v3, v2;
	_ =	sdelay $0x1  }
0x94: {  	v3 =	vadd.s32 v1, v3  }
0x95: {  	[tilespmem:s28], [sflag:$0x1] =	stream.indirect_vreg.gather [hbm4b:s3+s2], $0x80, v4, vm0, $0xb8;
	[tilespmem:$0xC080] =	vst v63  }
0x96: {  	_ = 	snop  }
0x97: {  	[tilespmem:s29], [sflag:$0x1] =	stream.indirect_vreg.gather [hbm4b:s4+s2], $0x80, v4, vm1, $0xb8;
	[tilespmem:$0xC080] =	vst v63  }
0x98: {  	_ = 	snop  }
0x99: {  	[tilespmem:s30], [sflag:$0x1] =	stream.indirect_vreg.gather [hbm4b:s3+s2], $0x80, v3, vm0, $0xb8;
	[tilespmem:$0xC080] =	vst v63  }
0x9a: {  	_ = 	snop  }
0x9b: {  	[tilespmem:s31], [sflag:$0x1] =	stream.indirect_vreg.gather [hbm4b:s4+s2], $0x80, v3, vm1, $0xb8;
	[tilespmem:$0xC080] =	vst v63  }
0x9c: {  	_ =	swait.ge [sflag:s1], $0xC000  }
0x9d: {  	p0 =	sne.s32 s5, $0x1;
	[sflag:s1] =	ssyncset.done $0x0  }
.Ltmp0:
0x9e: {  	s8 =	rddreg [dreg:$0x4];
	[sflag:s1] =	ssyncadd.s32 $0xFFFF4000;
	(pc) =	sbr.rel @p0 .LBB2_1-.Ltmp0, $4  }
0x9f: {  	[hbm4b:s8+s2] =	stream.linear.scatter [tilespmem:s7], [sflag:$0x2], $0xC000, $0x38;
	[tilespmem:$0xC080] =	vst v63  }
0xa0: {  	_ =	swait.ge [sflag:s6], $0xC000  }
0xa1: {  	[sflag:s6] =	ssyncset.done $0x0  }
0xa2: {  	s5 =	sadd.s32 $0xFFFFFFFF, s5;
	[sflag:s6] =	ssyncadd.s32 $0xFFFF4000  }
0xa3: {  	_ =	sfence.sel $0x180000  }
0xa4: {  	[bflag:$0x0] =	sbarrier.arrive $0xFFFF  }
0xa5: {  	_ =	strace $0x9000004A  }
0xa6: {  	s0 =	stileid.u32;
	[bflag:$0x2] =	sbarrier.arrive $0xFFFF  }
0xa7: {  	p0 =	sne.s32 s0, $0x0;
	s0 =	rddreg [dreg:$0x2]  }
0xa8: {  	s0 =	sadd.s32 @!p0 $0x100000, s0  }
0xa9: {  	[sflag:s0] =	ssyncadd.tile.s32 @!p0 $0x1;
	_ =	shalt  }
.Lfunc_end2:
_tile_overlayer_lowered:
.L_overlay_start_2:
0xaa: {  	(tag) =	ssettag $0x2  }
0xab: {  	s0 =	rddreg [dreg:$0x0];
	s2 =	stileid.u32  }
0xac: {  	s1 =	rddreg [dreg:$0x1];
	p0 =	sne.s32 s2, $0x0  }
0xad: {  	s3 =	rddreg [dreg:$0x2];
	[bflag:$0x3] =	sbarrier.arrive $0xFFFF;
	s2 =	simm.s32 @!p0 $0x1C02  }
0xae: {  	[timem:s3], [sflag:s2] =	dma.local @!p0 [hbm:s0], s1  }
0xaf: {  	s0 =	simm.s32 @!p0 $0x2  }
0xb0: {  	_ =	swait.ge @!p0 [sflag:s0], s1  }
0xb1: {  	s1 =	ssub.s32 @!p0 $0x0, s1;
	[sflag:s0] =	ssyncset.done @!p0 $0x0  }
0xb2: {  	[sflag:s0] =	ssyncadd.s32 @!p0 s1  }
0xb3: {  	[bflag:$0x3] =	sbarrier.arrive $0xFFFF  }
0xb4: {  	_ =	shalt  }

// kernel: kernel.9.cloned.1.call-start
scs
__scs_entry_jumppad:
0x0: {  	(pc) =	sbr.rel $0x88, $3  }
0x1: {  	(tag) =	ssettag $0x0;
	lr =	simm.s32 $0x1  }
0x2: {  	[smem:$0x3F8F] =	sst lr;
	_ =	strace $0xD0000000  }
0x3: {  	_ = 	snop  }
0x4: {  	_ = 	snop  }
0x5: {  	_ = 	snop  }
0x6: {  	_ = 	snop  }
0x7: {  	_ = 	snop  }
__scs_overlays_trampoline_lowered:
0x8: {  	[smem:$0x3F9E] =	sst s0  }
0x9: {  	[smem:$0x3F9F] =	sst s1  }
0xa: {  	[smem:$0x3FA0] =	sst s2  }
0xb: {  	[smem:$0x3FA1] =	sst s3  }
0xc: {  	[smem:$0x3FA2] =	sst s4  }
0xd: {  	[smem:$0x3FA3] =	sst s5  }
0xe: {  	[smem:$0x3FA4] =	sst s6  }
0xf: {  	[smem:$0x3FA5] =	sst s7  }
0x10: {  	[smem:$0x3FA6] =	sst s8  }
0x11: {  	[smem:$0x3FA7] =	sst s9;
	s0 =	simm.s32 @!p0 $0x0  }
0x12: {  	s1 =	sld [smem:$0x3F8D];
	s0 =	simm.s32 @p0 $0x1  }
0x13: {  	[smem:$0x3FA8] =	sst s0;
	s0 =	simm.s32 @!p1 $0x0  }
0x14: {  	s2 =	sld [smem:$0x3F8C];
	s0 =	simm.s32 @p1 $0x1  }
0x15: {  	[smem:$0x3FA9] =	sst s0;
	s0 =	simm.s32 @!p2 $0x0  }
0x16: {  	s3 =	sld [smem:$0x3FDB];
	s0 =	simm.s32 @p2 $0x1  }
0x17: {  	s4 =	simm.s32 $0x1BF5;
	[smem:$0x3FAB] =	sst s0  }
0x18: {  	s0 =	sld [smem:$0x3F8E];
	_ =	swait.ge [sflag:s4], $0x0  }
0x19: {  	s7 =	sld [smem:$0x3F8F]  }
0x1a: {  	s8 =	sadd.s32 $0xFFFFE003, lr  }
0x1b: {  	s9 =	sadd.s32 $0xFFFFFEF7, lr;
	s5 =	simm.s32 $0xFFFFFFFF;
	p2 =	slt.u32 s8, $0xFFFFF086  }
0x1c: {  	p1 =	slt.u32 s9, $0xF7A;
	s5 =	simm.s32 @!p2 $0x0  }
0x1d: {  	s5 =	simm.s32 @p1 $0x1;
	p0 =	seq.s32 s7, s2  }
0x1e: {  	s7 =	smul.u32 @!p0 $0xF7A, s2;
	p2 =	seq.s32 @!p0 s5, $0x0  }
0x1f: {  	s9 =	smul.u32 $0xF7A, s1;
	s8 =	simm.s32 @!p0 $0x1BF5;
	p2 =	por !p2, p0  }
0x20: {  	[sflag:s8] =	ssyncset.s32 @!p0 $0xFFFFF086;
	s6 =	sadd.s32 @!p0 s3, s7;
	s7 =	simm.s32 @!p0 $0x108  }
0x21: {  	s3 =	sadd.s32 s3, s9;
	s6 =	sadd.s32 @!p0 $0x88, s6;
	s7 =	simm.s32 @p2 $0x1082  }
0x22: {  	[simem:s7], [sflag:s8] =	dma.local @!p0 [hbm:s6], $0xF7A  }
0x23: {  	s9 =	sor.u32 $0xD0000000, s2;
	s6 =	simm.s32 $0x108;
	_ =	swait.ge @!p0 [sflag:s8], $0x0  }
0x24: {  	s3 =	sadd.s32 $0x88, s3;
	s6 =	simm.s32 @!p1 $0x1082;
	[sflag:s4] =	ssyncset.s32 $0xFFFFF086  }
0x25: {  	[simem:s6], [sflag:s4] =	dma.local [hbm:s3], $0xF7A  }
0x26: {  	[smem:$0x3F8F] =	sst s1;
	(tag) =	ssettag s2;
	_ =	strace s9  }
0x27: {  	s1 =	sld [smem:$0x3F9F]  }
0x28: {  	s2 =	sld [smem:$0x3FA0]  }
0x29: {  	s4 =	sld [smem:$0x3FA2]  }
0x2a: {  	p0 =	seq.s32 s5, $0x0;
	s5 =	sld [smem:$0x3FA3]  }
0x2b: {  	s6 =	sld [smem:$0x3FA4]  }
0x2c: {  	s7 =	sld [smem:$0x3FA5]  }
0x2d: {  	s3 =	simm.s32 $0x108;
	s8 =	sld [smem:$0x3FA6]  }
0x2e: {  	s3 =	simm.s32 @!p0 $0x1082;
	s9 =	sld [smem:$0x3FA7]  }
0x2f: {  	lr =	sadd.s32 s0, s3;
	s0 =	sld [smem:$0x3F9E]  }
0x30: {  	s3 =	sld [smem:$0x3FA1]  }
0x31: {  	[smem:$0x3FAA] =	sst s10  }
0x32: {  	s10 =	sld [smem:$0x3FA8];
	_ =	sdelay $0x3  }
0x33: {  	p0 =	seq.s32 s10, $0x1;
	s10 =	sld [smem:$0x3FAA];
	_ =	sdelay $0x3  }
0x34: {  	[smem:$0x3FAA] =	sst s10  }
0x35: {  	s10 =	sld [smem:$0x3FA9];
	_ =	sdelay $0x3  }
0x36: {  	p1 =	seq.s32 s10, $0x1;
	s10 =	sld [smem:$0x3FAA];
	_ =	sdelay $0x3  }
0x37: {  	[smem:$0x3FAA] =	sst s10  }
0x38: {  	s10 =	sld [smem:$0x3FAB]  }
0x39: {  	_ = 	snop;
	(pc) =	sbr.ind lr, $3  }
0x3a: {  	_ = 	snop  }
0x3b: {  	_ = 	snop  }
0x3c: {  	p2 =	seq.s32 s10, $0x1;
	s10 =	sld [smem:$0x3FAA]  }
0x3d: {  	_ =	shalt  }
0x3e: {  	_ =	shalt  }
0x3f: {  	_ =	shalt  }
0x40: {  	_ =	shalt  }
0x41: {  	_ =	shalt  }
0x42: {  	_ =	shalt  }
0x43: {  	_ =	shalt  }
0x44: {  	_ =	shalt  }
0x45: {  	_ =	shalt  }
0x46: {  	_ =	shalt  }
0x47: {  	_ =	shalt  }
0x48: {  	_ =	shalt  }
0x49: {  	_ =	shalt  }
0x4a: {  	_ =	shalt  }
0x4b: {  	_ =	shalt  }
0x4c: {  	_ =	shalt  }
0x4d: {  	_ =	shalt  }
0x4e: {  	_ =	shalt  }
0x4f: {  	_ =	shalt  }
0x50: {  	_ =	shalt  }
0x51: {  	_ =	shalt  }
0x52: {  	_ =	shalt  }
0x53: {  	_ =	shalt  }
0x54: {  	_ =	shalt  }
0x55: {  	_ =	shalt  }
0x56: {  	_ =	shalt  }
0x57: {  	_ =	shalt  }
0x58: {  	_ =	shalt  }
0x59: {  	_ =	shalt  }
0x5a: {  	_ =	shalt  }
0x5b: {  	_ =	shalt  }
0x5c: {  	_ =	shalt  }
0x5d: {  	_ =	shalt  }
0x5e: {  	_ =	shalt  }
0x5f: {  	_ =	shalt  }
0x60: {  	_ =	shalt  }
0x61: {  	_ =	shalt  }
0x62: {  	_ =	shalt  }
0x63: {  	_ =	shalt  }
0x64: {  	_ =	shalt  }
0x65: {  	_ =	shalt  }
0x66: {  	_ =	shalt  }
0x67: {  	_ =	shalt  }
0x68: {  	_ =	shalt  }
0x69: {  	_ =	shalt  }
0x6a: {  	_ =	shalt  }
0x6b: {  	_ =	shalt  }
0x6c: {  	_ =	shalt  }
0x6d: {  	_ =	shalt  }
0x6e: {  	_ =	shalt  }
0x6f: {  	_ =	shalt  }
0x70: {  	_ =	shalt  }
0x71: {  	_ =	shalt  }
0x72: {  	_ =	shalt  }
0x73: {  	_ =	shalt  }
0x74: {  	_ =	shalt  }
0x75: {  	_ =	shalt  }
0x76: {  	_ =	shalt  }
0x77: {  	_ =	shalt  }
0x78: {  	_ =	shalt  }
0x79: {  	_ =	shalt  }
0x7a: {  	_ =	shalt  }
0x7b: {  	_ =	shalt  }
0x7c: {  	_ =	shalt  }
0x7d: {  	_ =	shalt  }
0x7e: {  	_ =	shalt  }
0x7f: {  	_ =	shalt  }
0x80: {  	_ =	shalt  }
0x81: {  	_ =	shalt  }
0x82: {  	_ =	shalt  }
0x83: {  	_ =	shalt  }
0x84: {  	_ =	shalt  }
0x85: {  	_ =	shalt  }
0x86: {  	_ =	shalt  }
0x87: {  	_ =	shalt  }
.Lfunc_end0:
.L_simem_size_0:
called_computation_lowered:
.L_overlay_start_0:
0x88: {  	s2 =	sld [smem:$0x3FD9]  }
0x89: {  	s3 =	sld [smem:$0x3FFE];
	_ =	sdelay $0x1  }
0x8a: {  	s1 =	srdreg.scid  }
0x8b: {  	s0 =	sand.u32 $0x1, s1  }
0x8c: {  	s17 =	sshll.u32 s0, $0xA;
	s2 =	sadd.s32 s3, s2  }
0x8d: {  	s2 =	sadd.s32 s2, s17  }
0x8e: {  	[smem:$0x3FB6] =	sst s2  }
0x8f: {  	_ = 	snop  }
0x90: {  	s2 =	sld [smem:$0x3FD0];
	(tm) =	ssettm $0x1  }
0x91: {  	s18 =	sld [smem:$0x3FFB];
	_ =	sdelay $0x3  }
0x92: {  	_ =	strace s18  }
0x93: {  	s3 =	sld [smem:$0x3FFC];
	_ =	sdelay $0x3  }
0x94: {  	_ =	strace s3  }
0x95: {  	s3 =	sld [smem:$0x3FFD];
	_ =	sdelay $0x3  }
0x96: {  	_ =	strace s3  }
0x97: {  	_ =	strace $0x8FFFFFFF  }
0x98: {  	s19 =	sld [smem:$0x3FDB];
	_ =	sdelay $0x1  }
0x99: {  	s4 =	simm.s32 $_scs_section_size  }
0x9a: {  	s5 =	simm.s32 $_size__tile_overlayer_lowered;
	s6 =	simm.s32 $_tile_overlayer_lowered  }
0x9b: {  	s22 =	simm.s32 $0x1BFF;
	s21 =	sshll.u32 s6, $0x1;
	s3 =	sadd.s32 s4, s19  }
0x9c: {  	s7 =	simm.s32 $0x0;
	s20 =	sshll.u32 s5, $0x1;
	s5 =	sadd.s32 s21, s3  }
0x9d: {  	[timem:s7], [sflag:s22] =	dma.local [hbm:s5], s20  }
0x9e: {  	_ =	swait.ge [sflag:s22], s20  }
0x9f: {  	s4 =	ssub.s32 $0x0, s20;
	[sflag:s22] =	ssyncset.done $0x0  }
0xa0: {  	[sflag:s22] =	ssyncadd.s32 s4;
	_ =	sdelay $0x1  }
0xa1: {  	s23 =	simm.s32 $0x1B8B  }
0xa2: {  	_ =	swait.ge [sflag:s23], $0x1  }
0xa3: {  	[sflag:s23] =	ssyncset.done $0x0  }
0xa4: {  	s25 =	simm.s32 $0x1B8E;
	s24 =	sld [smem:$0x3FFE];
	[sflag:s23] =	ssyncadd.s32 $0xFFFFFFFF  }
0xa5: {  	s26 =	simm.s32 $execute0_lowered;
	[smem:$0x3FD2] =	sst s25  }
0xa6: {  	s5 =	sshll.u32 s26, $0x1;
	_ =	strace $0x80000046;
	[dreg:$0x1] =	wrdreg $0xFFFFFFFF  }
0xa7: {  	s28 =	simm.s32 $_size_execute0_lowered;
	s3 =	sadd.s32 s3, s5;
	[dreg:$0x0] =	wrdreg $0x0  }
0xa8: {  	s5 =	sshll.u32 s28, $0x1;
	[dreg:$0x2] =	wrdreg s3  }
0xa9: {  	[dreg:$0x3] =	wrdreg s5  }
0xaa: {  	[dreg:$0x4] =	wrdreg $0xC0  }
0xab: {  	_ =	task [dreg:s7], $0x5FFFF  }
0xac: {  	[dreg:$0x1] =	wrdreg $0xFFFFFFFF  }
0xad: {  	[dreg:$0x0] =	wrdreg $0x60  }
0xae: {  	[dreg:$0x2] =	wrdreg s2  }
0xaf: {  	[dreg:$0x3] =	wrdreg s24  }
0xb0: {  	[dreg:$0x4] =	wrdreg $0x9  }
0xb1: {  	_ =	task.clear_ibuf [dreg:s7], $0x5FFFF;
	_ =	strace $0x90000046  }
0xb2: {  	s29 =	simm.s32 $0x9;
	_ =	strace $0x80000048  }
0xb3: {  	_ =	swait.ge [sflag:s29], $0x1  }
0xb4: {  	[sflag:s29] =	ssyncadd.s32 $0xFFFFFFFF  }
0xb5: {  	_ =	strace $0x90000048  }
0xb6: {  	_ =	sfence  }
0xb7: {  	s30 =	sld [smem:$0x0];
	_ =	sdelay $0x2  }
0xb8: {  	s31 =	sshll.u32 s1, $0xD;
	s1 =	sshrl.u32 s1, $0x2  }
0xb9: {  	s3 =	sand.u32 $0x4000, s31;
	s1 =	sadd.s32 s1, s30  }
0xba: {  	s0 =	sor.u32 s3, s0;
	s1 =	sshll.u32 s1, $0x11  }
0xbb: {  	s0 =	sor.u32 s1, s0  }
0xbc: {  	s0 =	sadd.s32 $0x8F2B, s0  }
0xbd: {  	[sflag:s0] =	ssyncadd.remote.s32 $0x1  }
0xbe: {  	_ =	sfence.sel $0xFFFF  }
0xbf: {  	[dreg:$0x0] =	wrdreg $0xFFFFFFFF;
	(pc) =	sbr.abs _section_cstart, $3  }
0xc0: {  	[dreg:$0x1] =	wrdreg $0xFFFFFFFF  }
0xc1: {  	_ =	task.clear_ibuf [dreg:s7], $0x2FFFF;
	_ =	strace $0x9FFFFFFF  }
0xc2: {  	(tm) =	ssettm $0x7FFFFFFF  }
0xc3: {  	_ =	shalt  }
tec
execute0_lowered:
.L_overlay_start_1:
0x0: {  	(tag) =	ssettag $0x1  }
0x1: {  	s0 =	srdreg.scid;
	s2 =	rddreg [dreg:$0x0]  }
0x2: {  	s3 =	stileid.u32;
	s1 =	rddreg [dreg:$0x1]  }
0x3: {  	s26 =	simm.s32 $0x80;
	s17 =	simm.s32 $0x1;
	s20 =	simm.s32 $0xD00  }
0x4: {  	s21 =	simm.s32 $0x1500;
	s22 =	simm.s32 $0x1900;
	s23 =	simm.s32 $0x2100  }
0x5: {  	s28 =	simm.s32 $0x3900;
	s29 =	simm.s32 $0x3D00;
	s30 =	simm.s32 $0x4500  }
0x6: {  	s31 =	simm.s32 $0x4900;
	s9 =	simm.s32 $0x5D00;
	s10 =	simm.s32 $0x6100  }
0x7: {  	s11 =	simm.s32 $0x6900;
	s12 =	simm.s32 $0x6D00;
	s13 =	simm.s32 $0x7500  }
0x8: {  	s14 =	simm.s32 $0x7900;
	s15 =	simm.s32 $0x8100;
	s16 =	simm.s32 $0x8500  }
0x9: {  	s0 =	sand.u32 $0x1, s0;
	s4 =	sshll.u32 s3, $0x5;
	s3 =	simm.s32 $0x0  }
0xa: {  	s8 =	simm.s32 $0x8D00;
	s5 =	sshll.u32 s0, $0x4;
	[smem:$0x7FF] =	sst s3  }
0xb: {  	s0 =	ssub.s32 $0x2, s0;
	s4 =	sor.u32 s5, s4;
	_ =	strace $0x80000047  }
0xc: {  	s6 =	sshrl.u32 s0, $0x1;
	s5 =	sadd.s32 $0x100, s2;
	[dreg:$0x5] =	wrdreg s26  }
0xd: {  	s26 =	simm.s32 $0x3100;
	s4 =	sadd.s32 s4, s1;
	s0 =	ssub.s32 s0, s6  }
0xe: {  	v2 =	vlaneseq.u32;
	s6 =	sadd.s32 $0x33300, s1;
	s24 =	sadd.s32 $0x2E00, s4;
	s25 =	sadd.s32 $0x33000, s4  }
0xf: {  	vm0 =	vmmov $0xffff;
	vm1 =	vmmov $0xff;
	v1 =	vshrl.u32 v2, $0x3;
	s4 =	sadd.s32 $0x33200, s1;
	s7 =	smax.u32 s0, $0x1;
	[dreg:$0x3] =	wrdreg s24  }
0x10: {  	v0 =	vand.u32 $0x7, v2;
	v2 =	vor.u32 $0x8, v2;
	v1 =	vmul.u32 $0x8, v1;
	[dreg:$0x4] =	wrdreg s25;
	s24 =	simm.s32 $0x2500;
	s25 =	simm.s32 $0x2D00  }
.LBB2_1:
0x11: {  	s18 =	rddreg [dreg:$0x3];
	s0 =	simm.s32 $0x2  }
0x12: {  	[tilespmem:s3], [sflag:$0x2] =	stream.linear.gather [hbm4b:s18+s3], $0x80, $0x38;
	[tilespmem:$0xC100] =	vst v63  }
0x13: {  	_ =	swait.ge [sflag:s0], $0x80  }
0x14: {  	s1 =	rddreg [dreg:$0x4];
	[sflag:s0] =	ssyncset.done $0x0  }
0x15: {  	s19 =	rddreg [dreg:$0x5];
	[sflag:s0] =	ssyncadd.s32 $0xFFFFFF80  }
0x16: {  	[tilespmem:s19], [sflag:$0x2] =	stream.linear.gather [hbm4b:s1+s3], $0x80, $0x38;
	[tilespmem:$0xC100] =	vst v63  }
0x17: {  	_ =	swait.ge [sflag:s0], $0x80  }
0x18: {  	[sflag:s0] =	ssyncset.done $0x0  }
0x19: {  	[sflag:s0] =	ssyncadd.s32 $0xFFFFFF80  }
0x1a: {  	v3 =	vld [tilespmem:$0x0];
	_ =	sdelay $0x4  }
0x1b: {  	v4 =	vshrl.u32 v3, $0x3  }
0x1c: {  	v4 =	vmul.u32 $0x18, v4  }
0x1d: {  	v3 =	vand.u32 $0x7, v3  }
0x1e: {  	v3 =	vor.u32 v3, v4  }
0x1f: {  	v4 =	vperm.xlane v3, v0;
	_ =	sdelay $0x1  }
0x20: {  	v4 =	vadd.s32 v1, v4;
	_ =	sdelay $0x1  }
0x21: {  	v3 =	vperm.xlane v3, v2;
	_ =	sdelay $0x1  }
0x22: {  	s18 =	simm.s32 $0x100;
	v3 =	vadd.s32 v1, v3  }
0x23: {  	[tilespmem:s18], [sflag:$0x1] =	stream.indirect_vreg.gather [hbm4b:s2+s3], $0x80, v4, vm0, $0xb8;
	[tilespmem:$0xC100] =	vst v63  }
0x24: {  	s19 =	simm.s32 $0x900  }
0x25: {  	[tilespmem:s19], [sflag:$0x1] =	stream.indirect_vreg.gather [hbm4b:s5+s3], $0x80, v4, vm1, $0xb8;
	[tilespmem:$0xC100] =	vst v63  }
0x26: {  	_ = 	snop  }
0x27: {  	[tilespmem:s20], [sflag:$0x1] =	stream.indirect_vreg.gather [hbm4b:s2+s3], $0x80, v3, vm0, $0xb8;
	[tilespmem:$0xC100] =	vst v63  }
0x28: {  	_ = 	snop  }
0x29: {  	[tilespmem:s21], [sflag:$0x1] =	stream.indirect_vreg.gather [hbm4b:s5+s3], $0x80, v3, vm1, $0xb8;
	[tilespmem:$0xC100] =	vst v63  }
0x2a: {  	v3 =	vld [tilespmem:$0x10];
	_ =	sdelay $0x4  }
0x2b: {  	v49 =	vshrl.u32 v3, $0x3  }
0x2c: {  	v4 =	vmul.u32 $0x18, v49  }
0x2d: {  	v3 =	vand.u32 $0x7, v3  }
0x2e: {  	v3 =	vor.u32 v3, v4  }
0x2f: {  	v4 =	vperm.xlane v3, v0;
	_ =	sdelay $0x1  }
0x30: {  	v4 =	vadd.s32 v1, v4;
	_ =	sdelay $0x1  }
0x31: {  	v3 =	vperm.xlane v3, v2;
	_ =	sdelay $0x1  }
0x32: {  	v3 =	vadd.s32 v1, v3  }
0x33: {  	[tilespmem:s22], [sflag:$0x1] =	stream.indirect_vreg.gather [hbm4b:s2+s3], $0x80, v4, vm0, $0xb8;
	[tilespmem:$0xC100] =	vst v63  }
0x34: {  	_ = 	snop  }
0x35: {  	[tilespmem:s23], [sflag:$0x1] =	stream.indirect_vreg.gather [hbm4b:s5+s3], $0x80, v4, vm1, $0xb8;
	[tilespmem:$0xC100] =	vst v63  }
0x36: {  	_ = 	snop  }
0x37: {  	[tilespmem:s24], [sflag:$0x1] =	stream.indirect_vreg.gather [hbm4b:s2+s3], $0x80, v3, vm0, $0xb8;
	[tilespmem:$0xC100] =	vst v63  }
0x38: {  	_ = 	snop  }
0x39: {  	[tilespmem:s25], [sflag:$0x1] =	stream.indirect_vreg.gather [hbm4b:s5+s3], $0x80, v3, vm1, $0xb8;
	[tilespmem:$0xC100] =	vst v63  }
0x3a: {  	v3 =	vld [tilespmem:$0x20];
	_ =	sdelay $0x4  }
0x3b: {  	v50 =	vshrl.u32 v3, $0x3  }
0x3c: {  	v4 =	vmul.u32 $0x18, v50  }
0x3d: {  	v3 =	vand.u32 $0x7, v3  }
0x3e: {  	v3 =	vor.u32 v3, v4  }
0x3f: {  	v4 =	vperm.xlane v3, v0;
	_ =	sdelay $0x1  }
0x40: {  	v4 =	vadd.s32 v1, v4;
	_ =	sdelay $0x1  }
0x41: {  	v3 =	vperm.xlane v3, v2;
	_ =	sdelay $0x1  }
0x42: {  	v3 =	vadd.s32 v1, v3  }
0x43: {  	[tilespmem:s26], [sflag:$0x1] =	stream.indirect_vreg.gather [hbm4b:s2+s3], $0x80, v4, vm0, $0xb8;
	[tilespmem:$0xC100] =	vst v63  }
0x44: {  	_ = 	snop  }
0x45: {  	[tilespmem:s28], [sflag:$0x1] =	stream.indirect_vreg.gather [hbm4b:s5+s3], $0x80, v4, vm1, $0xb8;
	[tilespmem:$0xC100] =	vst v63  }
0x46: {  	_ = 	snop  }
0x47: {  	[tilespmem:s29], [sflag:$0x1] =	stream.indirect_vreg.gather [hbm4b:s2+s3], $0x80, v3, vm0, $0xb8;
	[tilespmem:$0xC100] =	vst v63  }
0x48: {  	_ = 	snop  }
0x49: {  	[tilespmem:s30], [sflag:$0x1] =	stream.indirect_vreg.gather [hbm4b:s5+s3], $0x80, v3, vm1, $0xb8;
	[tilespmem:$0xC100] =	vst v63  }
0x4a: {  	v3 =	vld [tilespmem:$0x30];
	_ =	sdelay $0x4  }
0x4b: {  	v51 =	vshrl.u32 v3, $0x3  }
0x4c: {  	v4 =	vmul.u32 $0x18, v51  }
0x4d: {  	v3 =	vand.u32 $0x7, v3  }
0x4e: {  	v3 =	vor.u32 v3, v4  }
0x4f: {  	v4 =	vperm.xlane v3, v0;
	_ =	sdelay $0x1  }
0x50: {  	v4 =	vadd.s32 v1, v4;
	_ =	sdelay $0x1  }
0x51: {  	v3 =	vperm.xlane v3, v2;
	_ =	sdelay $0x1  }
0x52: {  	v3 =	vadd.s32 v1, v3  }
0x53: {  	[tilespmem:s31], [sflag:$0x1] =	stream.indirect_vreg.gather [hbm4b:s2+s3], $0x80, v4, vm0, $0xb8;
	[tilespmem:$0xC100] =	vst v63  }
0x54: {  	s1 =	simm.s32 $0x5100  }
0x55: {  	[tilespmem:s1], [sflag:$0x1] =	stream.indirect_vreg.gather [hbm4b:s5+s3], $0x80, v4, vm1, $0xb8;
	[tilespmem:$0xC100] =	vst v63  }
0x56: {  	s0 =	simm.s32 $0x5500  }
0x57: {  	[tilespmem:s0], [sflag:$0x1] =	stream.indirect_vreg.gather [hbm4b:s2+s3], $0x80, v3, vm0, $0xb8;
	[tilespmem:$0xC100] =	vst v63  }
0x58: {  	_ = 	snop  }
0x59: {  	[tilespmem:s9], [sflag:$0x1] =	stream.indirect_vreg.gather [hbm4b:s5+s3], $0x80, v3, vm1, $0xb8;
	[tilespmem:$0xC100] =	vst v63  }
0x5a: {  	v3 =	vld [tilespmem:$0x40];
	_ =	sdelay $0x4  }
0x5b: {  	v52 =	vshrl.u32 v3, $0x3  }
0x5c: {  	v4 =	vmul.u32 $0x18, v52  }
0x5d: {  	v3 =	vand.u32 $0x7, v3  }
0x5e: {  	v3 =	vor.u32 v3, v4  }
0x5f: {  	v4 =	vperm.xlane v3, v0;
	_ =	sdelay $0x1  }
0x60: {  	v4 =	vadd.s32 v1, v4;
	_ =	sdelay $0x1  }
0x61: {  	v3 =	vperm.xlane v3, v2;
	_ =	sdelay $0x1  }
0x62: {  	v3 =	vadd.s32 v1, v3  }
0x63: {  	[tilespmem:s10], [sflag:$0x1] =	stream.indirect_vreg.gather [hbm4b:s2+s3], $0x80, v4, vm0, $0xb8;
	[tilespmem:$0xC100] =	vst v63  }
0x64: {  	_ = 	snop  }
0x65: {  	[tilespmem:s11], [sflag:$0x1] =	stream.indirect_vreg.gather [hbm4b:s5+s3], $0x80, v4, vm1, $0xb8;
	[tilespmem:$0xC100] =	vst v63  }
0x66: {  	_ = 	snop  }
0x67: {  	[tilespmem:s12], [sflag:$0x1] =	stream.indirect_vreg.gather [hbm4b:s2+s3], $0x80, v3, vm0, $0xb8;
	[tilespmem:$0xC100] =	vst v63  }
0x68: {  	_ = 	snop  }
0x69: {  	[tilespmem:s13], [sflag:$0x1] =	stream.indirect_vreg.gather [hbm4b:s5+s3], $0x80, v3, vm1, $0xb8;
	[tilespmem:$0xC100] =	vst v63  }
0x6a: {  	v3 =	vld [tilespmem:$0x50];
	_ =	sdelay $0x4  }
0x6b: {  	v53 =	vshrl.u32 v3, $0x3  }
0x6c: {  	v4 =	vmul.u32 $0x18, v53  }
0x6d: {  	v3 =	vand.u32 $0x7, v3  }
0x6e: {  	v3 =	vor.u32 v3, v4  }
0x6f: {  	v4 =	vperm.xlane v3, v0;
	_ =	sdelay $0x1  }
0x70: {  	v4 =	vadd.s32 v1, v4;
	_ =	sdelay $0x1  }
0x71: {  	v3 =	vperm.xlane v3, v2;
	_ =	sdelay $0x1  }
0x72: {  	v3 =	vadd.s32 v1, v3  }
0x73: {  	[tilespmem:s14], [sflag:$0x1] =	stream.indirect_vreg.gather [hbm4b:s2+s3], $0x80, v4, vm0, $0xb8;
	[tilespmem:$0xC100] =	vst v63  }
0x74: {  	_ = 	snop  }
0x75: {  	[tilespmem:s15], [sflag:$0x1] =	stream.indirect_vreg.gather [hbm4b:s5+s3], $0x80, v4, vm1, $0xb8;
	[tilespmem:$0xC100] =	vst v63  }
0x76: {  	_ = 	snop  }
0x77: {  	[tilespmem:s16], [sflag:$0x1] =	stream.indirect_vreg.gather [hbm4b:s2+s3], $0x80, v3, vm0, $0xb8;
	[tilespmem:$0xC100] =	vst v63  }
0x78: {  	_ = 	snop  }
0x79: {  	[tilespmem:s8], [sflag:$0x1] =	stream.indirect_vreg.gather [hbm4b:s5+s3], $0x80, v3, vm1, $0xb8;
	[tilespmem:$0xC100] =	vst v63  }
0x7a: {  	v3 =	vld [tilespmem:$0x60];
	_ =	sdelay $0x4  }
0x7b: {  	v54 =	vshrl.u32 v3, $0x3  }
0x7c: {  	v4 =	vmul.u32 $0x18, v54  }
0x7d: {  	v3 =	vand.u32 $0x7, v3  }
0x7e: {  	v3 =	vor.u32 v3, v4  }
0x7f: {  	v4 =	vperm.xlane v3, v0;
	_ =	sdelay $0x1  }
0x80: {  	v4 =	vadd.s32 v1, v4;
	_ =	sdelay $0x1  }
0x81: {  	v3 =	vperm.xlane v3, v2;
	_ =	sdelay $0x1  }
0x82: {  	s0 =	simm.s32 $0x9100;
	v3 =	vadd.s32 v1, v3  }
0x83: {  	[tilespmem:s0], [sflag:$0x1] =	stream.indirect_vreg.gather [hbm4b:s2+s3], $0x80, v4, vm0, $0xb8;
	[tilespmem:$0xC100] =	vst v63  }
0x84: {  	s0 =	simm.s32 $0x9900  }
0x85: {  	[tilespmem:s0], [sflag:$0x1] =	stream.indirect_vreg.gather [hbm4b:s5+s3], $0x80, v4, vm1, $0xb8;
	[tilespmem:$0xC100] =	vst v63  }
0x86: {  	s0 =	simm.s32 $0x9D00  }
0x87: {  	[tilespmem:s0], [sflag:$0x1] =	stream.indirect_vreg.gather [hbm4b:s2+s3], $0x80, v3, vm0, $0xb8;
	[tilespmem:$0xC100] =	vst v63  }
0x88: {  	s0 =	simm.s32 $0xA500  }
0x89: {  	[tilespmem:s0], [sflag:$0x1] =	stream.indirect_vreg.gather [hbm4b:s5+s3], $0x80, v3, vm1, $0xb8;
	[tilespmem:$0xC100] =	vst v63  }
0x8a: {  	v3 =	vld [tilespmem:$0x70];
	_ =	sdelay $0x4  }
0x8b: {  	v55 =	vshrl.u32 v3, $0x3  }
0x8c: {  	v4 =	vmul.u32 $0x18, v55  }
0x8d: {  	v3 =	vand.u32 $0x7, v3  }
0x8e: {  	v3 =	vor.u32 v3, v4  }
0x8f: {  	v4 =	vperm.xlane v3, v0;
	_ =	sdelay $0x1  }
0x90: {  	v4 =	vadd.s32 v1, v4;
	_ =	sdelay $0x1  }
0x91: {  	v3 =	vperm.xlane v3, v2;
	_ =	sdelay $0x1  }
0x92: {  	s0 =	simm.s32 $0xA900;
	v3 =	vadd.s32 v1, v3  }
0x93: {  	[tilespmem:s0], [sflag:$0x1] =	stream.indirect_vreg.gather [hbm4b:s2+s3], $0x80, v4, vm0, $0xb8;
	[tilespmem:$0xC100] =	vst v63  }
0x94: {  	s0 =	simm.s32 $0xB100  }
0x95: {  	[tilespmem:s0], [sflag:$0x1] =	stream.indirect_vreg.gather [hbm4b:s5+s3], $0x80, v4, vm1, $0xb8;
	[tilespmem:$0xC100] =	vst v63  }
0x96: {  	s0 =	simm.s32 $0xB500  }
0x97: {  	[tilespmem:s0], [sflag:$0x1] =	stream.indirect_vreg.gather [hbm4b:s2+s3], $0x80, v3, vm0, $0xb8;
	[tilespmem:$0xC100] =	vst v63  }
0x98: {  	s0 =	simm.s32 $0xBD00  }
0x99: {  	[tilespmem:s0], [sflag:$0x1] =	stream.indirect_vreg.gather [hbm4b:s5+s3], $0x80, v3, vm1, $0xb8;
	[tilespmem:$0xC100] =	vst v63  }
0x9a: {  	_ =	swait.ge [sflag:s17], $0xC000  }
0x9b: {  	[sflag:s17] =	ssyncset.done $0x0  }
0x9c: {  	[sflag:s17] =	ssyncadd.s32 $0xFFFF4000  }
0x9d: {  	v3 =	vld [tilespmem:$0x80];
	_ =	sdelay $0x4  }
0x9e: {  	v56 =	vshrl.u32 v3, $0x3  }
0x9f: {  	v4 =	vmul.u32 $0x18, v56  }
0xa0: {  	v3 =	vand.u32 $0x7, v3  }
0xa1: {  	v3 =	vor.u32 v3, v4  }
0xa2: {  	v4 =	vperm.xlane v3, v0;
	_ =	sdelay $0x1  }
0xa3: {  	v4 =	vadd.s32 v1, v4;
	_ =	sdelay $0x1  }
0xa4: {  	v3 =	vperm.xlane v3, v2;
	_ =	sdelay $0x1  }
0xa5: {  	v3 =	vadd.s32 v1, v3  }
0xa6: {  	[hbm4b:s4+s3] =	stream.indirect_vreg.scatter [tilespmem:s18], [sflag:$0x1], $0x80, v4, vm0, $0xb8;
	[tilespmem:$0xC100] =	vst v63  }
0xa7: {  	_ = 	snop  }
0xa8: {  	[hbm4b:s6+s3] =	stream.indirect_vreg.scatter [tilespmem:s19], [sflag:$0x1], $0x80, v4, vm1, $0xb8;
	[tilespmem:$0xC100] =	vst v63  }
0xa9: {  	_ = 	snop  }
0xaa: {  	[hbm4b:s4+s3] =	stream.indirect_vreg.scatter [tilespmem:s20], [sflag:$0x1], $0x80, v3, vm0, $0xb8;
	[tilespmem:$0xC100] =	vst v63  }
0xab: {  	_ = 	snop  }
0xac: {  	[hbm4b:s6+s3] =	stream.indirect_vreg.scatter [tilespmem:s21], [sflag:$0x1], $0x80, v3, vm1, $0xb8;
	[tilespmem:$0xC100] =	vst v63  }
0xad: {  	v3 =	vld [tilespmem:$0x90];
	_ =	sdelay $0x4  }
0xae: {  	v57 =	vshrl.u32 v3, $0x3  }
0xaf: {  	v4 =	vmul.u32 $0x18, v57  }
0xb0: {  	v3 =	vand.u32 $0x7, v3  }
0xb1: {  	v3 =	vor.u32 v3, v4  }
0xb2: {  	v4 =	vperm.xlane v3, v0;
	_ =	sdelay $0x1  }
0xb3: {  	v4 =	vadd.s32 v1, v4;
	_ =	sdelay $0x1  }
0xb4: {  	v3 =	vperm.xlane v3, v2;
	_ =	sdelay $0x1  }
0xb5: {  	v3 =	vadd.s32 v1, v3  }
0xb6: {  	[hbm4b:s4+s3] =	stream.indirect_vreg.scatter [tilespmem:s22], [sflag:$0x1], $0x80, v4, vm0, $0xb8;
	[tilespmem:$0xC100] =	vst v63  }
0xb7: {  	_ = 	snop  }
0xb8: {  	[hbm4b:s6+s3] =	stream.indirect_vreg.scatter [tilespmem:s23], [sflag:$0x1], $0x80, v4, vm1, $0xb8;
	[tilespmem:$0xC100] =	vst v63  }
0xb9: {  	_ = 	snop  }
0xba: {  	[hbm4b:s4+s3] =	stream.indirect_vreg.scatter [tilespmem:s24], [sflag:$0x1], $0x80, v3, vm0, $0xb8;
	[tilespmem:$0xC100] =	vst v63  }
0xbb: {  	_ = 	snop  }
0xbc: {  	[hbm4b:s6+s3] =	stream.indirect_vreg.scatter [tilespmem:s25], [sflag:$0x1], $0x80, v3, vm1, $0xb8;
	[tilespmem:$0xC100] =	vst v63  }
0xbd: {  	v3 =	vld [tilespmem:$0xA0];
	_ =	sdelay $0x4  }
0xbe: {  	v58 =	vshrl.u32 v3, $0x3  }
0xbf: {  	v4 =	vmul.u32 $0x18, v58  }
0xc0: {  	v3 =	vand.u32 $0x7, v3  }
0xc1: {  	v3 =	vor.u32 v3, v4  }
0xc2: {  	v4 =	vperm.xlane v3, v0;
	_ =	sdelay $0x1  }
0xc3: {  	v4 =	vadd.s32 v1, v4;
	_ =	sdelay $0x1  }
0xc4: {  	v3 =	vperm.xlane v3, v2;
	_ =	sdelay $0x1  }
0xc5: {  	v3 =	vadd.s32 v1, v3  }
0xc6: {  	[hbm4b:s4+s3] =	stream.indirect_vreg.scatter [tilespmem:s26], [sflag:$0x1], $0x80, v4, vm0, $0xb8;
	[tilespmem:$0xC100] =	vst v63  }
0xc7: {  	_ = 	snop  }
0xc8: {  	[hbm4b:s6+s3] =	stream.indirect_vreg.scatter [tilespmem:s28], [sflag:$0x1], $0x80, v4, vm1, $0xb8;
	[tilespmem:$0xC100] =	vst v63  }
0xc9: {  	_ = 	snop  }
0xca: {  	[hbm4b:s4+s3] =	stream.indirect_vreg.scatter [tilespmem:s29], [sflag:$0x1], $0x80, v3, vm0, $0xb8;
	[tilespmem:$0xC100] =	vst v63  }
0xcb: {  	_ = 	snop  }
0xcc: {  	[hbm4b:s6+s3] =	stream.indirect_vreg.scatter [tilespmem:s30], [sflag:$0x1], $0x80, v3, vm1, $0xb8;
	[tilespmem:$0xC100] =	vst v63  }
0xcd: {  	v3 =	vld [tilespmem:$0xB0];
	_ =	sdelay $0x4  }
0xce: {  	v59 =	vshrl.u32 v3, $0x3  }
0xcf: {  	v4 =	vmul.u32 $0x18, v59  }
0xd0: {  	v3 =	vand.u32 $0x7, v3  }
0xd1: {  	v3 =	vor.u32 v3, v4  }
0xd2: {  	v4 =	vperm.xlane v3, v0;
	_ =	sdelay $0x1  }
0xd3: {  	v4 =	vadd.s32 v1, v4;
	_ =	sdelay $0x1  }
0xd4: {  	v3 =	vperm.xlane v3, v2;
	_ =	sdelay $0x1  }
0xd5: {  	v3 =	vadd.s32 v1, v3  }
0xd6: {  	[hbm4b:s4+s3] =	stream.indirect_vreg.scatter [tilespmem:s31], [sflag:$0x1], $0x80, v4, vm0, $0xb8;
	[tilespmem:$0xC100] =	vst v63  }
0xd7: {  	_ = 	snop  }
0xd8: {  	[hbm4b:s6+s3] =	stream.indirect_vreg.scatter [tilespmem:s1], [sflag:$0x1], $0x80, v4, vm1, $0xb8;
	[tilespmem:$0xC100] =	vst v63  }
0xd9: {  	s18 =	simm.s32 $0x5500  }
0xda: {  	[hbm4b:s4+s3] =	stream.indirect_vreg.scatter [tilespmem:s18], [sflag:$0x1], $0x80, v3, vm0, $0xb8;
	[tilespmem:$0xC100] =	vst v63  }
0xdb: {  	_ = 	snop  }
0xdc: {  	[hbm4b:s6+s3] =	stream.indirect_vreg.scatter [tilespmem:s9], [sflag:$0x1], $0x80, v3, vm1, $0xb8;
	[tilespmem:$0xC100] =	vst v63  }
0xdd: {  	v3 =	vld [tilespmem:$0xC0];
	_ =	sdelay $0x4  }
0xde: {  	v60 =	vshrl.u32 v3, $0x3  }
0xdf: {  	v4 =	vmul.u32 $0x18, v60  }
0xe0: {  	v3 =	vand.u32 $0x7, v3  }
0xe1: {  	v3 =	vor.u32 v3, v4  }
0xe2: {  	v4 =	vperm.xlane v3, v0;
	_ =	sdelay $0x1  }
0xe3: {  	v4 =	vadd.s32 v1, v4;
	_ =	sdelay $0x1  }
0xe4: {  	v3 =	vperm.xlane v3, v2;
	_ =	sdelay $0x1  }
0xe5: {  	v3 =	vadd.s32 v1, v3  }
0xe6: {  	[hbm4b:s4+s3] =	stream.indirect_vreg.scatter [tilespmem:s10], [sflag:$0x1], $0x80, v4, vm0, $0xb8;
	[tilespmem:$0xC100] =	vst v63  }
0xe7: {  	_ = 	snop  }
0xe8: {  	[hbm4b:s6+s3] =	stream.indirect_vreg.scatter [tilespmem:s11], [sflag:$0x1], $0x80, v4, vm1, $0xb8;
	[tilespmem:$0xC100] =	vst v63  }
0xe9: {  	_ = 	snop  }
0xea: {  	[hbm4b:s4+s3] =	stream.indirect_vreg.scatter [tilespmem:s12], [sflag:$0x1], $0x80, v3, vm0, $0xb8;
	[tilespmem:$0xC100] =	vst v63  }
0xeb: {  	_ = 	snop  }
0xec: {  	[hbm4b:s6+s3] =	stream.indirect_vreg.scatter [tilespmem:s13], [sflag:$0x1], $0x80, v3, vm1, $0xb8;
	[tilespmem:$0xC100] =	vst v63  }
0xed: {  	v3 =	vld [tilespmem:$0xD0];
	_ =	sdelay $0x4  }
0xee: {  	v61 =	vshrl.u32 v3, $0x3  }
0xef: {  	v4 =	vmul.u32 $0x18, v61  }
0xf0: {  	v3 =	vand.u32 $0x7, v3  }
0xf1: {  	v3 =	vor.u32 v3, v4  }
0xf2: {  	v4 =	vperm.xlane v3, v0;
	_ =	sdelay $0x1  }
0xf3: {  	v4 =	vadd.s32 v1, v4;
	_ =	sdelay $0x1  }
0xf4: {  	v3 =	vperm.xlane v3, v2;
	_ =	sdelay $0x1  }
0xf5: {  	v3 =	vadd.s32 v1, v3  }
0xf6: {  	[hbm4b:s4+s3] =	stream.indirect_vreg.scatter [tilespmem:s14], [sflag:$0x1], $0x80, v4, vm0, $0xb8;
	[tilespmem:$0xC100] =	vst v63  }
0xf7: {  	_ = 	snop  }
0xf8: {  	[hbm4b:s6+s3] =	stream.indirect_vreg.scatter [tilespmem:s15], [sflag:$0x1], $0x80, v4, vm1, $0xb8;
	[tilespmem:$0xC100] =	vst v63  }
0xf9: {  	_ = 	snop  }
0xfa: {  	[hbm4b:s4+s3] =	stream.indirect_vreg.scatter [tilespmem:s16], [sflag:$0x1], $0x80, v3, vm0, $0xb8;
	[tilespmem:$0xC100] =	vst v63  }
0xfb: {  	_ = 	snop  }
0xfc: {  	[hbm4b:s6+s3] =	stream.indirect_vreg.scatter [tilespmem:s8], [sflag:$0x1], $0x80, v3, vm1, $0xb8;
	[tilespmem:$0xC100] =	vst v63  }
0xfd: {  	v3 =	vld [tilespmem:$0xE0];
	_ =	sdelay $0x4  }
0xfe: {  	v62 =	vshrl.u32 v3, $0x3  }
0xff: {  	v4 =	vmul.u32 $0x18, v62  }
0x100: {  	v3 =	vand.u32 $0x7, v3  }
0x101: {  	v3 =	vor.u32 v3, v4  }
0x102: {  	v4 =	vperm.xlane v3, v0;
	_ =	sdelay $0x1  }
0x103: {  	v4 =	vadd.s32 v1, v4;
	_ =	sdelay $0x1  }
0x104: {  	v3 =	vperm.xlane v3, v2;
	_ =	sdelay $0x1  }
0x105: {  	s19 =	simm.s32 $0x9100;
	v3 =	vadd.s32 v1, v3  }
0x106: {  	[hbm4b:s4+s3] =	stream.indirect_vreg.scatter [tilespmem:s19], [sflag:$0x1], $0x80, v4, vm0, $0xb8;
	[tilespmem:$0xC100] =	vst v63  }
0x107: {  	s18 =	simm.s32 $0x9900  }
0x108: {  	[hbm4b:s6+s3] =	stream.indirect_vreg.scatter [tilespmem:s18], [sflag:$0x1], $0x80, v4, vm1, $0xb8;
	[tilespmem:$0xC100] =	vst v63  }
0x109: {  	s19 =	simm.s32 $0x9D00  }
0x10a: {  	[hbm4b:s4+s3] =	stream.indirect_vreg.scatter [tilespmem:s19], [sflag:$0x1], $0x80, v3, vm0, $0xb8;
	[tilespmem:$0xC100] =	vst v63  }
0x10b: {  	s18 =	simm.s32 $0xA500  }
0x10c: {  	[hbm4b:s6+s3] =	stream.indirect_vreg.scatter [tilespmem:s18], [sflag:$0x1], $0x80, v3, vm1, $0xb8;
	[tilespmem:$0xC100] =	vst v63  }
0x10d: {  	v3 =	vld [tilespmem:$0xF0];
	_ =	sdelay $0x4  }
0x10e: {  	v63 =	vshrl.u32 v3, $0x3  }
0x10f: {  	v4 =	vmul.u32 $0x18, v63  }
0x110: {  	v3 =	vand.u32 $0x7, v3  }
0x111: {  	v3 =	vor.u32 v3, v4  }
0x112: {  	v4 =	vperm.xlane v3, v0;
	_ =	sdelay $0x1  }
0x113: {  	v4 =	vadd.s32 v1, v4;
	_ =	sdelay $0x1  }
0x114: {  	v3 =	vperm.xlane v3, v2;
	_ =	sdelay $0x1  }
0x115: {  	s19 =	simm.s32 $0xA900;
	v3 =	vadd.s32 v1, v3  }
0x116: {  	[hbm4b:s4+s3] =	stream.indirect_vreg.scatter [tilespmem:s19], [sflag:$0x1], $0x80, v4, vm0, $0xb8;
	[tilespmem:$0xC100] =	vst v63  }
0x117: {  	s18 =	simm.s32 $0xB100  }
0x118: {  	[hbm4b:s6+s3] =	stream.indirect_vreg.scatter [tilespmem:s18], [sflag:$0x1], $0x80, v4, vm1, $0xb8;
	[tilespmem:$0xC100] =	vst v63  }
0x119: {  	p0 =	sne.s32 s7, $0x1;
	s19 =	simm.s32 $0xB500  }
0x11a: {  	[hbm4b:s4+s3] =	stream.indirect_vreg.scatter [tilespmem:s19], [sflag:$0x1], $0x80, v3, vm0, $0xb8;
	[tilespmem:$0xC100] =	vst v63  }
.Ltmp0:
0x11b: {  	_ = 	snop;
	(pc) =	sbr.rel @p0 .LBB2_1-.Ltmp0, $4  }
0x11c: {  	[hbm4b:s6+s3] =	stream.indirect_vreg.scatter [tilespmem:s0], [sflag:$0x1], $0x80, v3, vm1, $0xb8;
	[tilespmem:$0xC100] =	vst v63  }
0x11d: {  	_ =	swait.ge [sflag:s17], $0xC000  }
0x11e: {  	[sflag:s17] =	ssyncset.done $0x0  }
0x11f: {  	s7 =	sadd.s32 $0xFFFFFFFF, s7;
	[sflag:s17] =	ssyncadd.s32 $0xFFFF4000  }
0x120: {  	_ =	sfence.sel $0x180000  }
0x121: {  	[bflag:$0x0] =	sbarrier.arrive $0xFFFF  }
0x122: {  	_ =	strace $0x90000047  }
0x123: {  	s0 =	stileid.u32;
	[bflag:$0x2] =	sbarrier.arrive $0xFFFF  }
0x124: {  	p0 =	sne.s32 s0, $0x0;
	s0 =	rddreg [dreg:$0x2]  }
0x125: {  	s0 =	sadd.s32 @!p0 $0x100000, s0  }
0x126: {  	[sflag:s0] =	ssyncadd.tile.s32 @!p0 $0x1;
	_ =	shalt  }
.Lfunc_end2:
_tile_overlayer_lowered:
.L_overlay_start_2:
0x127: {  	(tag) =	ssettag $0x2  }
0x128: {  	s0 =	rddreg [dreg:$0x0];
	s2 =	stileid.u32  }
0x129: {  	s1 =	rddreg [dreg:$0x1];
	p0 =	sne.s32 s2, $0x0  }
0x12a: {  	s3 =	rddreg [dreg:$0x2];
	[bflag:$0x3] =	sbarrier.arrive $0xFFFF;
	s2 =	simm.s32 @!p0 $0x1C02  }
0x12b: {  	[timem:s3], [sflag:s2] =	dma.local @!p0 [hbm:s0], s1  }
0x12c: {  	s0 =	simm.s32 @!p0 $0x2  }
0x12d: {  	_ =	swait.ge @!p0 [sflag:s0], s1  }
0x12e: {  	s1 =	ssub.s32 @!p0 $0x0, s1;
	[sflag:s0] =	ssyncset.done @!p0 $0x0  }
0x12f: {  	[sflag:s0] =	ssyncadd.s32 @!p0 s1  }
0x130: {  	[bflag:$0x3] =	sbarrier.arrive $0xFFFF  }
0x131: {  	_ =	shalt  }

</sc_bundles>
